<compile_context>
chip_gen: v7x
topology: tpu7x:2x2x1
jax: 0.10.2.dev20260603
libtpu: 0.0.44.dev20260713+nightly
codegen_flags: <defaults>
</compile_context>

<pallas_src>
import functools

import jax
import jax.numpy as jnp
from jax import lax
from jax.experimental import pallas as pl
from jax.experimental.pallas import tpu as pltpu
from jax.experimental.pallas import tpu_sc as plsc

_SEQ = 128
_CLS = 101
_SEP = 102
_N_WORDS = 16384
_N_TOK = 32768
_N_LABELS = _N_TOK + 2

_CHUNK = 1024
_WIN = _CHUNK + 16
_NW = 32
_SLOT = 1024
_NGUESS = 3


def _body(st_hbm, seg_hbm, wl_hbm, ids_hbm, mask_hbm, type_hbm, lab_hbm,
          table_v, win_v, idx_v, out_v, sbuf_v, obuf_v,
          tsem, osem, fsem, ssem):
    c = lax.axis_index("c")
    s = lax.axis_index("s")
    wid = s * 2 + c
    base = wid * _CHUNK

    iota = lax.iota(jnp.int32, 16)
    zero = jnp.zeros((16,), jnp.int32)

    win0 = pl.multiple_of(jnp.maximum(base - 16, 0), 16)
    wcp = pltpu.async_copy(seg_hbm.at[pl.ds(win0, _WIN)], win_v, fsem)

    guess = jnp.clip((base // 2 - _SLOT // 2) // _SLOT, 0,
                     _N_WORDS // _SLOT - _NGUESS)
    for k in range(_NGUESS):
        gsrc = pl.multiple_of((guess + k) * _SLOT, _SLOT)
        pltpu.async_copy(wl_hbm.at[pl.ds(gsrc, _SLOT)],
                         table_v.at[pl.ds(k * _SLOT, _SLOT)], tsem)

    @pl.when(wid == 1)
    def _ids_fetch():
        pltpu.async_copy(st_hbm.at[pl.ds(0, _SEQ)], sbuf_v, ssem)

    @pl.when(wid == 2)
    def _mask():
        one = jnp.ones((16,), jnp.int32)

        def mgrp(i, carry):
            obuf_v[pl.ds(i * 16, 16)] = one
            return carry

        lax.fori_loop(0, _SEQ // 16, mgrp, 0)
        pltpu.async_copy(obuf_v, mask_hbm, ssem)

    @pl.when(wid == 3)
    def _type():
        def zgrp(i, carry):
            obuf_v[pl.ds(i * 16, 16)] = zero
            return carry

        lax.fori_loop(0, _SEQ // 16, zgrp, 0)
        pltpu.async_copy(obuf_v, type_hbm, ssem)

    wcp.wait()

    lo = jnp.min(win_v[pl.ds(0, 16)])
    hi = jnp.max(win_v[pl.ds(_WIN - 16, 16)])
    slot0 = lo // _SLOT
    nslots = hi // _SLOT - slot0 + 1
    ok = jnp.logical_and(slot0 >= guess, hi // _SLOT < guess + _NGUESS)
    slot_base = jnp.where(ok, guess, slot0) * _SLOT

    @plsc.parallel_loop(0, _WIN // 16, unroll=5)
    def build(i):
        p = base + i * 16 + iota
        loc = jnp.clip(p - 1 - win0, 0, _WIN - 1)
        idx_v[pl.ds(i * 16, 16)] = plsc.load_gather(win_v, [loc])

    for k in range(_NGUESS):
        gsrc = pl.multiple_of((guess + k) * _SLOT, _SLOT)
        pltpu.make_async_copy(wl_hbm.at[pl.ds(gsrc, _SLOT)],
                              table_v.at[pl.ds(k * _SLOT, _SLOT)], tsem).wait()

    @pl.when(jnp.logical_not(ok))
    def _refetch():
        def fire_slot(k, carry):
            src = pl.multiple_of((slot0 + k) * _SLOT, _SLOT)
            pltpu.async_copy(wl_hbm.at[pl.ds(src, _SLOT)],
                             table_v.at[pl.ds(k * _SLOT, _SLOT)], tsem)
            return carry

        lax.fori_loop(0, nslots, fire_slot, 0)

        def drain_slot(k, carry):
            src = pl.multiple_of((slot0 + k) * _SLOT, _SLOT)
            pltpu.make_async_copy(wl_hbm.at[pl.ds(src, _SLOT)],
                                  table_v.at[pl.ds(k * _SLOT, _SLOT)],
                                  tsem).wait()
            return carry

        lax.fori_loop(0, nslots, drain_slot, 0)

    half = _CHUNK // 2

    @plsc.parallel_loop(0, 32, unroll=8)
    def gather_a(i):
        p = base + i * 16 + iota
        segv = idx_v[pl.ds(i * 16, 16)]
        vals = plsc.load_gather(table_v, [segv - slot_base]) + 1
        out_v[pl.ds(i * 16, 16)] = jnp.where(p == 0, zero, vals)

    cp_a = pltpu.async_copy(out_v.at[pl.ds(0, half)],
                            lab_hbm.at[pl.ds(base, half)], osem)

    @plsc.parallel_loop(32, _WIN // 16, unroll=11)
    def gather_b(i):
        p = base + i * 16 + iota
        segv = idx_v[pl.ds(i * 16, 16)]
        vals = plsc.load_gather(table_v, [segv - slot_base]) + 1
        out_v[pl.ds(i * 16, 16)] = jnp.where(p >= _N_LABELS - 1, zero, vals)

    cp_b = pltpu.async_copy(out_v.at[pl.ds(half, half)],
                            lab_hbm.at[pl.ds(base + half, half)], osem)

    @pl.when(wid == 1)
    def _ids():
        pltpu.make_async_copy(st_hbm.at[pl.ds(0, _SEQ)], sbuf_v, ssem).wait()

        def idgrp(i, carry):
            p = i * 16 + iota
            loc = jnp.clip(p - 1, 0, _SEQ - 1)
            v = plsc.load_gather(sbuf_v, [loc])
            v = jnp.where(p == 0, jnp.full((16,), _CLS, jnp.int32), v)
            v = jnp.where(p == _SEQ - 1, jnp.full((16,), _SEP, jnp.int32), v)
            obuf_v[pl.ds(i * 16, 16)] = v
            return carry

        lax.fori_loop(0, _SEQ // 16, idgrp, 0)
        pltpu.async_copy(obuf_v, ids_hbm, ssem)

    @pl.when(wid == _NW - 1)
    def _tail():
        pltpu.async_copy(out_v.at[pl.ds(_CHUNK, 2)],
                         lab_hbm.at[pl.ds(_NW * _CHUNK, 2)], osem)

    cp_a.wait()
    cp_b.wait()

    @pl.when(wid == _NW - 1)
    def _tail_wait():
        pltpu.make_async_copy(out_v.at[pl.ds(_CHUNK, 2)],
                              lab_hbm.at[pl.ds(_NW * _CHUNK, 2)], osem).wait()

    @pl.when(wid == 1)
    def _ids_wait():
        pltpu.make_async_copy(obuf_v, ids_hbm, ssem).wait()

    @pl.when(wid == 2)
    def _mask_wait():
        pltpu.make_async_copy(obuf_v, mask_hbm, ssem).wait()

    @pl.when(wid == 3)
    def _type_wait():
        pltpu.make_async_copy(obuf_v, type_hbm, ssem).wait()


@jax.jit
def _run(subtoken_ids, seg32, wl32):
    i32 = jnp.int32
    k = functools.partial(
        pl.kernel,
        out_type=(
            jax.ShapeDtypeStruct((_SEQ,), i32),
            jax.ShapeDtypeStruct((_SEQ,), i32),
            jax.ShapeDtypeStruct((_SEQ,), i32),
            jax.ShapeDtypeStruct((_N_LABELS,), i32),
        ),
        mesh=plsc.VectorSubcoreMesh(core_axis_name="c", subcore_axis_name="s"),
        compiler_params=pltpu.CompilerParams(needs_layout_passes=False,
                                             skip_device_barrier=True),
        scratch_types=[
            pltpu.VMEM((_N_WORDS,), i32),
            pltpu.VMEM((_WIN,), i32),
            pltpu.VMEM((_WIN,), i32),
            pltpu.VMEM((_WIN,), i32),
            pltpu.VMEM((_SEQ,), i32),
            pltpu.VMEM((_SEQ,), i32),
            pltpu.SemaphoreType.DMA,
            pltpu.SemaphoreType.DMA,
            pltpu.SemaphoreType.DMA,
            pltpu.SemaphoreType.DMA,
        ],
    )(_body)
    return k(subtoken_ids, seg32, wl32)


def kernel(subtoken_ids, segment_ids, word_labels):
    seg32 = segment_ids.astype(jnp.int32)
    wl32 = word_labels.astype(jnp.int32)
    return _run(subtoken_ids, seg32, wl32)

# --- scband reference (transcript-rebuilt; emitter-appended) ---
"""Pipeline reference for scband-nertokenizer-for-bert-47115791237577 (READ-ONLY COPY).

The authoritative reference and input builder live on the scoring server;
editing this copy changes nothing except your own understanding.
"""

import jax, jax.numpy as jnp
import numpy as np

SEQ_LENGTH = 128
CLS_ID = 101
SEP_ID = 102
N_WORDS = 16384
TOTAL_SUBTOKENS = 32768
VOCAB_SIZE = 28996


def setup_inputs(seed: int = 0) -> dict:
    key = jax.random.key(seed)
    k1, k2, k3 = jax.random.split(key, 3)
    # flat subword-token ids produced by the (emulated) WordPiece tokenizer
    subtoken_ids = jax.random.randint(k1, (TOTAL_SUBTOKENS,), 0, VOCAB_SIZE, dtype=jnp.int32)
    # ragged structure: which source word each subtoken came from (row ids of the RaggedTensor)
    segment_ids = jnp.sort(jax.random.randint(k2, (TOTAL_SUBTOKENS,), 0, N_WORDS, dtype=jnp.int32)).astype(jnp.int64)
    # per-word NER labels (0..8 before the +1 shift in call)
    word_labels = jax.random.randint(k3, (N_WORDS,), 0, 9, dtype=jnp.int32).astype(jnp.int64)
    return {"subtoken_ids": subtoken_ids, "segment_ids": segment_ids, "word_labels": word_labels}


def reference(subtoken_ids, segment_ids, word_labels):
    # word_labels += 1 (shift so 0 is reserved for [PAD]/special tokens)
    wl = word_labels + 1
    # tf.while_loop over ragged rows tiling each word's label to its subtoken count
    # == gather of the word label per subtoken via the ragged row ids
    labels_core = jnp.take(wl, segment_ids, axis=0)
    # prepend/append label 0 for [CLS]/[SEP]
    zero = jnp.zeros((1,), dtype=labels_core.dtype)
    labels = jnp.concatenate([zero, labels_core, zero], axis=0)
    labels = labels.astype(jnp.int32)
    # pad labels up to max_seq_length if shorter (tf.pad with computed padding_offset)
    padding_offset = max(SEQ_LENGTH - int(labels.shape[0]), 0)
    labels = jnp.pad(labels, (0, padding_offset), constant_values=0)
    # bert_pack_inputs(seq_length=128): [CLS] + subtokens (truncated) + [SEP], pad to seq_length
    trunc = subtoken_ids[: SEQ_LENGTH - 2].astype(jnp.int32)
    ids = jnp.concatenate([
        jnp.array([CLS_ID], dtype=jnp.int32),
        trunc,
        jnp.array([SEP_ID], dtype=jnp.int32),
    ], axis=0)
    n = int(ids.shape[0])
    pad = SEQ_LENGTH - n
    input_word_ids = jnp.pad(ids, (0, pad), constant_values=0)
    input_mask = jnp.pad(jnp.ones((n,), dtype=jnp.int32), (0, pad), constant_values=0)
    input_type_ids = jnp.zeros((SEQ_LENGTH,), dtype=jnp.int32)
    return (input_word_ids, input_mask, input_type_ids, labels)

if __name__ == "__main__":
    import jax
    _d = setup_inputs()
    print(jax.jit(kernel)(*tuple(_d.values())))

</pallas_src>

<mosaic_0001>
#map = affine_map<(d0, d1) -> (0)>
module attributes {stable_mosaic.version = 14 : i64} {
  func.func @_body(%arg0: i32, %arg1: i32, %arg2: memref<32768xi32, #tpu.memory_space<hbm>>, %arg3: memref<32768xi32, #tpu.memory_space<hbm>>, %arg4: memref<16384xi32, #tpu.memory_space<hbm>>, %arg5: memref<128xi32, #tpu.memory_space<hbm>>, %arg6: memref<128xi32, #tpu.memory_space<hbm>>, %arg7: memref<128xi32, #tpu.memory_space<hbm>>, %arg8: memref<32770xi32, #tpu.memory_space<hbm>>, %arg9: memref<16384xi32, #tpu.memory_space<vmem>>, %arg10: memref<1040xi32, #tpu.memory_space<vmem>>, %arg11: memref<1040xi32, #tpu.memory_space<vmem>>, %arg12: memref<1040xi32, #tpu.memory_space<vmem>>, %arg13: memref<128xi32, #tpu.memory_space<vmem>>, %arg14: memref<128xi32, #tpu.memory_space<vmem>>, %arg15: memref<!tpu.dma_semaphore, #tpu.memory_space<semaphore_mem>>, %arg16: memref<!tpu.dma_semaphore, #tpu.memory_space<semaphore_mem>>, %arg17: memref<!tpu.dma_semaphore, #tpu.memory_space<semaphore_mem>>, %arg18: memref<!tpu.dma_semaphore, #tpu.memory_space<semaphore_mem>>) attributes {dimension_semantics = [#tpu.dimension_semantics<core_parallel>, #tpu.dimension_semantics<subcore_parallel>], iteration_bounds = array<i64: 2, 16>, scalar_prefetch = 0 : i64, scratch_operands = 10 : i64, tpu.core_type = #tpu.core_type<sc_vector_subcore>, window_params = [{transform_indices = #map}, {transform_indices = #map}, {transform_indices = #map}, {transform_indices = #map}, {transform_indices = #map}, {transform_indices = #map}, {transform_indices = #map}]} {
    %mul3A = arith.constant 2 : i32
    %mul3A_0 = arith.muli %arg1, %mul3A : i32
    %add3A = arith.addi %mul3A_0, %arg0 : i32
    %mul3A_1 = arith.constant 1024 : i32
    %mul3A_2 = arith.muli %add3A, %mul3A_1 : i32
    %iota3A = tpu.iota {dimensions = array<i32: 0>} : vector<16xi32>
    %broadcast_in_dim3A = arith.constant 0 : i32
    %broadcast_in_dim3A_3 = vector.broadcast %broadcast_in_dim3A : i32 to vector<16xi32>
    %sub3A = arith.constant 16 : i32
    %sub3A_4 = arith.subi %mul3A_2, %sub3A : i32
    %max3A = arith.constant 0 : i32
    %max3A_5 = arith.maxsi %sub3A_4, %max3A : i32
    %multiple_of3A = tpu.assume_multiple %max3A_5, 16 : i32
    %dma_start3A = tpu.memref_slice %arg3[%multiple_of3A] : memref<32768xi32, #tpu.memory_space<hbm>> -> memref<1040xi32, #tpu.memory_space<hbm>>
    %dma_start3A_6 = tpu.memref_slice %arg3[%multiple_of3A] : memref<32768xi32, #tpu.memory_space<hbm>> -> memref<1040xi32, #tpu.memory_space<hbm>>
    tpu.enqueue_dma source(%dma_start3A_6 : memref<1040xi32, #tpu.memory_space<hbm>>) target(%arg10 : memref<1040xi32, #tpu.memory_space<vmem>>) target_semaphore(%arg17 : memref<!tpu.dma_semaphore, #tpu.memory_space<semaphore_mem>>)
    %jit3A = arith.constant 2 : i32
    %div3A = arith.divsi %mul3A_2, %jit3A : i32
    %sign3A = arith.constant 0 : i32
    %sign3A_7 = arith.cmpi sgt, %mul3A_2, %sign3A : i32
    %sign3A_8 = arith.extui %sign3A_7 : i1 to i32
    %sign3A_9 = arith.constant 0 : i32
    %sign3A_10 = arith.cmpi slt, %mul3A_2, %sign3A_9 : i32
    %sign3A_11 = arith.extui %sign3A_10 : i1 to i32
    %sign3A_12 = arith.subi %sign3A_8, %sign3A_11 : i32
    %sign3A_13 = arith.constant 0 : i32
    %sign3A_14 = arith.cmpi sgt, %jit3A, %sign3A_13 : i32
    %sign3A_15 = arith.extui %sign3A_14 : i1 to i32
    %sign3A_16 = arith.constant 0 : i32
    %sign3A_17 = arith.cmpi slt, %jit3A, %sign3A_16 : i32
    %sign3A_18 = arith.extui %sign3A_17 : i1 to i32
    %sign3A_19 = arith.subi %sign3A_15, %sign3A_18 : i32
    %ne3A = arith.cmpi ne, %sign3A_12, %sign3A_19 : i32
    %rem3A = arith.remsi %mul3A_2, %jit3A : i32
    %ne3A_20 = arith.constant 0 : i32
    %ne3A_21 = arith.cmpi ne, %rem3A, %ne3A_20 : i32
    %and3A = arith.andi %ne3A, %ne3A_21 : i1
    %sub3A_22 = arith.constant 1 : i32
    %sub3A_23 = arith.subi %div3A, %sub3A_22 : i32
    %select_n3A = arith.select %and3A, %sub3A_23, %div3A : i32
    %sub3A_24 = arith.constant 512 : i32
    %sub3A_25 = arith.subi %select_n3A, %sub3A_24 : i32
    %jit3A_26 = arith.constant 1024 : i32
    %div3A_27 = arith.divsi %sub3A_25, %jit3A_26 : i32
    %sign3A_28 = arith.constant 0 : i32
    %sign3A_29 = arith.cmpi sgt, %sub3A_25, %sign3A_28 : i32
    %sign3A_30 = arith.extui %sign3A_29 : i1 to i32
    %sign3A_31 = arith.constant 0 : i32
    %sign3A_32 = arith.cmpi slt, %sub3A_25, %sign3A_31 : i32
    %sign3A_33 = arith.extui %sign3A_32 : i1 to i32
    %sign3A_34 = arith.subi %sign3A_30, %sign3A_33 : i32
    %sign3A_35 = arith.constant 0 : i32
    %sign3A_36 = arith.cmpi sgt, %jit3A_26, %sign3A_35 : i32
    %sign3A_37 = arith.extui %sign3A_36 : i1 to i32
    %sign3A_38 = arith.constant 0 : i32
    %sign3A_39 = arith.cmpi slt, %jit3A_26, %sign3A_38 : i32
    %sign3A_40 = arith.extui %sign3A_39 : i1 to i32
    %sign3A_41 = arith.subi %sign3A_37, %sign3A_40 : i32
    %ne3A_42 = arith.cmpi ne, %sign3A_34, %sign3A_41 : i32
    %rem3A_43 = arith.remsi %sub3A_25, %jit3A_26 : i32
    %ne3A_44 = arith.constant 0 : i32
    %ne3A_45 = arith.cmpi ne, %rem3A_43, %ne3A_44 : i32
    %and3A_46 = arith.andi %ne3A_42, %ne3A_45 : i1
    %sub3A_47 = arith.constant 1 : i32
    %sub3A_48 = arith.subi %div3A_27, %sub3A_47 : i32
    %select_n3A_49 = arith.select %and3A_46, %sub3A_48, %div3A_27 : i32
    %jit3A_50 = arith.constant 0 : i32
    %jit3A_51 = arith.constant 13 : i32
    %max3A_52 = arith.maxsi %jit3A_50, %select_n3A_49 : i32
    %min3A = arith.minsi %jit3A_51, %max3A_52 : i32
    %add3A_53 = arith.constant 0 : i32
    %add3A_54 = arith.addi %min3A, %add3A_53 : i32
    %mul3A_55 = arith.constant 1024 : i32
    %mul3A_56 = arith.muli %add3A_54, %mul3A_55 : i32
    %multiple_of3A_57 = tpu.assume_multiple %mul3A_56, 1024 : i32
    %dma_start3A_58 = arith.constant 0 : i32
    %dma_start3A_59 = tpu.memref_slice %arg9[%dma_start3A_58] : memref<16384xi32, #tpu.memory_space<vmem>> -> memref<1024xi32, #tpu.memory_space<vmem>>
    %dma_start3A_60 = tpu.memref_slice %arg4[%multiple_of3A_57] : memref<16384xi32, #tpu.memory_space<hbm>> -> memref<1024xi32, #tpu.memory_space<hbm>>
    %dma_start3A_61 = arith.constant 0 : i32
    %dma_start3A_62 = tpu.memref_slice %arg9[%dma_start3A_61] : memref<16384xi32, #tpu.memory_space<vmem>> -> memref<1024xi32, #tpu.memory_space<vmem>>
    %dma_start3A_63 = tpu.memref_slice %arg4[%multiple_of3A_57] : memref<16384xi32, #tpu.memory_space<hbm>> -> memref<1024xi32, #tpu.memory_space<hbm>>
    tpu.enqueue_dma source(%dma_start3A_63 : memref<1024xi32, #tpu.memory_space<hbm>>) target(%dma_start3A_62 : memref<1024xi32, #tpu.memory_space<vmem>>) target_semaphore(%arg15 : memref<!tpu.dma_semaphore, #tpu.memory_space<semaphore_mem>>)
    %add3A_64 = arith.constant 1 : i32
    %add3A_65 = arith.addi %min3A, %add3A_64 : i32
    %mul3A_66 = arith.constant 1024 : i32
    %mul3A_67 = arith.muli %add3A_65, %mul3A_66 : i32
    %multiple_of3A_68 = tpu.assume_multiple %mul3A_67, 1024 : i32
    %dma_start3A_69 = arith.constant 1024 : i32
    %dma_start3A_70 = tpu.memref_slice %arg9[%dma_start3A_69] : memref<16384xi32, #tpu.memory_space<vmem>> -> memref<1024xi32, #tpu.memory_space<vmem>>
    %dma_start3A_71 = tpu.memref_slice %arg4[%multiple_of3A_68] : memref<16384xi32, #tpu.memory_space<hbm>> -> memref<1024xi32, #tpu.memory_space<hbm>>
    %dma_start3A_72 = arith.constant 1024 : i32
    %dma_start3A_73 = tpu.memref_slice %arg9[%dma_start3A_72] : memref<16384xi32, #tpu.memory_space<vmem>> -> memref<1024xi32, #tpu.memory_space<vmem>>
    %dma_start3A_74 = tpu.memref_slice %arg4[%multiple_of3A_68] : memref<16384xi32, #tpu.memory_space<hbm>> -> memref<1024xi32, #tpu.memory_space<hbm>>
    tpu.enqueue_dma source(%dma_start3A_74 : memref<1024xi32, #tpu.memory_space<hbm>>) target(%dma_start3A_73 : memref<1024xi32, #tpu.memory_space<vmem>>) target_semaphore(%arg15 : memref<!tpu.dma_semaphore, #tpu.memory_space<semaphore_mem>>)
    %add3A_75 = arith.constant 2 : i32
    %add3A_76 = arith.addi %min3A, %add3A_75 : i32
    %mul3A_77 = arith.constant 1024 : i32
    %mul3A_78 = arith.muli %add3A_76, %mul3A_77 : i32
    %multiple_of3A_79 = tpu.assume_multiple %mul3A_78, 1024 : i32
    %dma_start3A_80 = arith.constant 2048 : i32
    %dma_start3A_81 = tpu.memref_slice %arg9[%dma_start3A_80] : memref<16384xi32, #tpu.memory_space<vmem>> -> memref<1024xi32, #tpu.memory_space<vmem>>
    %dma_start3A_82 = tpu.memref_slice %arg4[%multiple_of3A_79] : memref<16384xi32, #tpu.memory_space<hbm>> -> memref<1024xi32, #tpu.memory_space<hbm>>
    %dma_start3A_83 = arith.constant 2048 : i32
    %dma_start3A_84 = tpu.memref_slice %arg9[%dma_start3A_83] : memref<16384xi32, #tpu.memory_space<vmem>> -> memref<1024xi32, #tpu.memory_space<vmem>>
    %dma_start3A_85 = tpu.memref_slice %arg4[%multiple_of3A_79] : memref<16384xi32, #tpu.memory_space<hbm>> -> memref<1024xi32, #tpu.memory_space<hbm>>
    tpu.enqueue_dma source(%dma_start3A_85 : memref<1024xi32, #tpu.memory_space<hbm>>) target(%dma_start3A_84 : memref<1024xi32, #tpu.memory_space<vmem>>) target_semaphore(%arg15 : memref<!tpu.dma_semaphore, #tpu.memory_space<semaphore_mem>>)
    %eq3A = arith.constant 1 : i32
    %eq3A_86 = arith.cmpi eq, %add3A, %eq3A : i32
    %convert_element_type3A = arith.extui %eq3A_86 : i1 to i32
    %cond3A = arith.constant 0 : i32
    %cond3A_87 = arith.cmpi ne, %convert_element_type3A, %cond3A : i32
    scf.if %cond3A_87 {
      %dma_start3A_298 = arith.constant 0 : i32
      %dma_start3A_299 = tpu.memref_slice %arg2[%dma_start3A_298] : memref<32768xi32, #tpu.memory_space<hbm>> -> memref<128xi32, #tpu.memory_space<hbm>>
      %dma_start3A_300 = arith.constant 0 : i32
      %dma_start3A_301 = tpu.memref_slice %arg2[%dma_start3A_300] : memref<32768xi32, #tpu.memory_space<hbm>> -> memref<128xi32, #tpu.memory_space<hbm>>
      tpu.enqueue_dma source(%dma_start3A_301 : memref<128xi32, #tpu.memory_space<hbm>>) target(%arg13 : memref<128xi32, #tpu.memory_space<vmem>>) target_semaphore(%arg18 : memref<!tpu.dma_semaphore, #tpu.memory_space<semaphore_mem>>)
    } else {
    }
    %eq3A_88 = arith.constant 2 : i32
    %eq3A_89 = arith.cmpi eq, %add3A, %eq3A_88 : i32
    %convert_element_type3A_90 = arith.extui %eq3A_89 : i1 to i32
    %cond3A_91 = arith.constant 0 : i32
    %cond3A_92 = arith.cmpi ne, %convert_element_type3A_90, %cond3A_91 : i32
    scf.if %cond3A_92 {
      %broadcast_in_dim3A_298 = arith.constant 1 : i32
      %broadcast_in_dim3A_299 = vector.broadcast %broadcast_in_dim3A_298 : i32 to vector<16xi32>
      %scan3A = arith.constant 0 : i32
      %scan3A_300 = arith.constant 0 : i32
      %scan3A_301 = arith.constant 8 : i32
      %scan3A_302 = arith.addi %scan3A_300, %scan3A_301 : i32
      %scan3A_303 = arith.constant 1 : i32
      scf.for %scan3A_305 = %scan3A_300 to %scan3A_302 step %scan3A_303  : i32 {
        %mul3A_306 = arith.constant 16 : i32
        %mul3A_307 = arith.muli %scan3A_305, %mul3A_306 : i32
        %swap3A = arith.index_cast %mul3A_307 : i32 to index
        %swap3A_308 = tpu.vector_load %arg14[%swap3A] {strides = array<i32>} : memref<128xi32, #tpu.memory_space<vmem>>, vector<16xi32>,
        tpu.vector_store %arg14[%swap3A], %broadcast_in_dim3A_299 {strides = array<i32>} : memref<128xi32, #tpu.memory_space<vmem>>, vector<16xi32>,
      }
      %scan3A_304 = arith.constant 8 : i32
      tpu.enqueue_dma source(%arg14 : memref<128xi32, #tpu.memory_space<vmem>>) target(%arg6 : memref<128xi32, #tpu.memory_space<hbm>>) target_semaphore(%arg18 : memref<!tpu.dma_semaphore, #tpu.memory_space<semaphore_mem>>)
    } else {
    }
    %eq3A_93 = arith.constant 3 : i32
    %eq3A_94 = arith.cmpi eq, %add3A, %eq3A_93 : i32
    %convert_element_type3A_95 = arith.extui %eq3A_94 : i1 to i32
    %cond3A_96 = arith.constant 0 : i32
    %cond3A_97 = arith.cmpi ne, %convert_element_type3A_95, %cond3A_96 : i32
    scf.if %cond3A_97 {
      %scan3A = arith.constant 0 : i32
      %scan3A_298 = arith.constant 0 : i32
      %scan3A_299 = arith.constant 8 : i32
      %scan3A_300 = arith.addi %scan3A_298, %scan3A_299 : i32
      %scan3A_301 = arith.constant 1 : i32
      scf.for %scan3A_303 = %scan3A_298 to %scan3A_300 step %scan3A_301  : i32 {
        %mul3A_304 = arith.constant 16 : i32
        %mul3A_305 = arith.muli %scan3A_303, %mul3A_304 : i32
        %swap3A = arith.index_cast %mul3A_305 : i32 to index
        %swap3A_306 = tpu.vector_load %arg14[%swap3A] {strides = array<i32>} : memref<128xi32, #tpu.memory_space<vmem>>, vector<16xi32>,
        tpu.vector_store %arg14[%swap3A], %broadcast_in_dim3A_3 {strides = array<i32>} : memref<128xi32, #tpu.memory_space<vmem>>, vector<16xi32>,
      }
      %scan3A_302 = arith.constant 8 : i32
      tpu.enqueue_dma source(%arg14 : memref<128xi32, #tpu.memory_space<vmem>>) target(%arg7 : memref<128xi32, #tpu.memory_space<hbm>>) target_semaphore(%arg18 : memref<!tpu.dma_semaphore, #tpu.memory_space<semaphore_mem>>)
    } else {
    }
    %dma_wait3A = tpu.memref_slice %arg3[%multiple_of3A] : memref<32768xi32, #tpu.memory_space<hbm>> -> memref<1040xi32, #tpu.memory_space<hbm>>
    %dma_wait3A_98 = tpu.memref_slice %arg3[%multiple_of3A] : memref<32768xi32, #tpu.memory_space<hbm>> -> memref<1040xi32, #tpu.memory_space<hbm>>
    tpu.wait_dma2 semaphore(%arg17 : memref<!tpu.dma_semaphore, #tpu.memory_space<semaphore_mem>>) src(%dma_wait3A_98 : memref<1040xi32, #tpu.memory_space<hbm>>) dst(%arg10 : memref<1040xi32, #tpu.memory_space<vmem>>)
    %get3A = arith.constant 0 : index
    %get3A_99 = tpu.vector_load %arg10[%get3A] {strides = array<i32>} : memref<1040xi32, #tpu.memory_space<vmem>>, vector<16xi32>,
    %reduce_min3A = arith.constant true
    %reduce_min3A_100 = vector.broadcast %reduce_min3A : i1 to vector<16xi1>
    %reduce_min3A_101 = arith.constant -2147483648 : i32
    %reduce_min3A_102 = vector.broadcast %reduce_min3A_101 : i32 to vector<16xi32>
    %reduce_min3A_103 = arith.xori %get3A_99, %reduce_min3A_102 : vector<16xi32>
    %reduce_min3A_104 = tpu.scan <min>, %reduce_min3A_103 masked %reduce_min3A_100 : vector<16xi32>, vector<16xi1> -> vector<16xi32>
    %reduce_min3A_105 = arith.xori %reduce_min3A_104, %reduce_min3A_102 : vector<16xi32>
    %reduce_min3A_106 = vector.extract %reduce_min3A_105[15] : i32 from vector<16xi32>
    %get3A_107 = arith.constant 1024 : index
    %get3A_108 = tpu.vector_load %arg10[%get3A_107] {strides = array<i32>} : memref<1040xi32, #tpu.memory_space<vmem>>, vector<16xi32>,
    %reduce_max3A = arith.constant true
    %reduce_max3A_109 = vector.broadcast %reduce_max3A : i1 to vector<16xi1>
    %reduce_max3A_110 = arith.constant -2147483648 : i32
    %reduce_max3A_111 = vector.broadcast %reduce_max3A_110 : i32 to vector<16xi32>
    %reduce_max3A_112 = arith.xori %get3A_108, %reduce_max3A_111 : vector<16xi32>
    %reduce_max3A_113 = tpu.scan <max>, %reduce_max3A_112 masked %reduce_max3A_109 : vector<16xi32>, vector<16xi1> -> vector<16xi32>
    %reduce_max3A_114 = arith.xori %reduce_max3A_113, %reduce_max3A_111 : vector<16xi32>
    %reduce_max3A_115 = vector.extract %reduce_max3A_114[15] : i32 from vector<16xi32>
    %jit3A_116 = arith.constant 1024 : i32
    %div3A_117 = arith.divsi %reduce_min3A_106, %jit3A_116 : i32
    %sign3A_118 = arith.constant 0 : i32
    %sign3A_119 = arith.cmpi sgt, %reduce_min3A_106, %sign3A_118 : i32
    %sign3A_120 = arith.extui %sign3A_119 : i1 to i32
    %sign3A_121 = arith.constant 0 : i32
    %sign3A_122 = arith.cmpi slt, %reduce_min3A_106, %sign3A_121 : i32
    %sign3A_123 = arith.extui %sign3A_122 : i1 to i32
    %sign3A_124 = arith.subi %sign3A_120, %sign3A_123 : i32
    %sign3A_125 = arith.constant 0 : i32
    %sign3A_126 = arith.cmpi sgt, %jit3A_116, %sign3A_125 : i32
    %sign3A_127 = arith.extui %sign3A_126 : i1 to i32
    %sign3A_128 = arith.constant 0 : i32
    %sign3A_129 = arith.cmpi slt, %jit3A_116, %sign3A_128 : i32
    %sign3A_130 = arith.extui %sign3A_129 : i1 to i32
    %sign3A_131 = arith.subi %sign3A_127, %sign3A_130 : i32
    %ne3A_132 = arith.cmpi ne, %sign3A_124, %sign3A_131 : i32
    %rem3A_133 = arith.remsi %reduce_min3A_106, %jit3A_116 : i32
    %ne3A_134 = arith.constant 0 : i32
    %ne3A_135 = arith.cmpi ne, %rem3A_133, %ne3A_134 : i32
    %and3A_136 = arith.andi %ne3A_132, %ne3A_135 : i1
    %sub3A_137 = arith.constant 1 : i32
    %sub3A_138 = arith.subi %div3A_117, %sub3A_137 : i32
    %select_n3A_139 = arith.select %and3A_136, %sub3A_138, %div3A_117 : i32
    %jit3A_140 = arith.constant 1024 : i32
    %div3A_141 = arith.divsi %reduce_max3A_115, %jit3A_140 : i32
    %sign3A_142 = arith.constant 0 : i32
    %sign3A_143 = arith.cmpi sgt, %reduce_max3A_115, %sign3A_142 : i32
    %sign3A_144 = arith.extui %sign3A_143 : i1 to i32
    %sign3A_145 = arith.constant 0 : i32
    %sign3A_146 = arith.cmpi slt, %reduce_max3A_115, %sign3A_145 : i32
    %sign3A_147 = arith.extui %sign3A_146 : i1 to i32
    %sign3A_148 = arith.subi %sign3A_144, %sign3A_147 : i32
    %sign3A_149 = arith.constant 0 : i32
    %sign3A_150 = arith.cmpi sgt, %jit3A_140, %sign3A_149 : i32
    %sign3A_151 = arith.extui %sign3A_150 : i1 to i32
    %sign3A_152 = arith.constant 0 : i32
    %sign3A_153 = arith.cmpi slt, %jit3A_140, %sign3A_152 : i32
    %sign3A_154 = arith.extui %sign3A_153 : i1 to i32
    %sign3A_155 = arith.subi %sign3A_151, %sign3A_154 : i32
    %ne3A_156 = arith.cmpi ne, %sign3A_148, %sign3A_155 : i32
    %rem3A_157 = arith.remsi %reduce_max3A_115, %jit3A_140 : i32
    %ne3A_158 = arith.constant 0 : i32
    %ne3A_159 = arith.cmpi ne, %rem3A_157, %ne3A_158 : i32
    %and3A_160 = arith.andi %ne3A_156, %ne3A_159 : i1
    %sub3A_161 = arith.constant 1 : i32
    %sub3A_162 = arith.subi %div3A_141, %sub3A_161 : i32
    %select_n3A_163 = arith.select %and3A_160, %sub3A_162, %div3A_141 : i32
    %sub3A_164 = arith.subi %select_n3A_163, %select_n3A_139 : i32
    %add3A_165 = arith.constant 1 : i32
    %add3A_166 = arith.addi %sub3A_164, %add3A_165 : i32
    %ge3A = arith.cmpi sge, %select_n3A_139, %min3A : i32
    %jit3A_167 = arith.constant 1024 : i32
    %div3A_168 = arith.divsi %reduce_max3A_115, %jit3A_167 : i32
    %sign3A_169 = arith.constant 0 : i32
    %sign3A_170 = arith.cmpi sgt, %reduce_max3A_115, %sign3A_169 : i32
    %sign3A_171 = arith.extui %sign3A_170 : i1 to i32
    %sign3A_172 = arith.constant 0 : i32
    %sign3A_173 = arith.cmpi slt, %reduce_max3A_115, %sign3A_172 : i32
    %sign3A_174 = arith.extui %sign3A_173 : i1 to i32
    %sign3A_175 = arith.subi %sign3A_171, %sign3A_174 : i32
    %sign3A_176 = arith.constant 0 : i32
    %sign3A_177 = arith.cmpi sgt, %jit3A_167, %sign3A_176 : i32
    %sign3A_178 = arith.extui %sign3A_177 : i1 to i32
    %sign3A_179 = arith.constant 0 : i32
    %sign3A_180 = arith.cmpi slt, %jit3A_167, %sign3A_179 : i32
    %sign3A_181 = arith.extui %sign3A_180 : i1 to i32
    %sign3A_182 = arith.subi %sign3A_178, %sign3A_181 : i32
    %ne3A_183 = arith.cmpi ne, %sign3A_175, %sign3A_182 : i32
    %rem3A_184 = arith.remsi %reduce_max3A_115, %jit3A_167 : i32
    %ne3A_185 = arith.constant 0 : i32
    %ne3A_186 = arith.cmpi ne, %rem3A_184, %ne3A_185 : i32
    %and3A_187 = arith.andi %ne3A_183, %ne3A_186 : i1
    %sub3A_188 = arith.constant 1 : i32
    %sub3A_189 = arith.subi %div3A_168, %sub3A_188 : i32
    %select_n3A_190 = arith.select %and3A_187, %sub3A_189, %div3A_168 : i32
    %add3A_191 = arith.constant 3 : i32
    %add3A_192 = arith.addi %min3A, %add3A_191 : i32
    %lt3A = arith.cmpi slt, %select_n3A_190, %add3A_192 : i32
    %and3A_193 = arith.andi %ge3A, %lt3A : i1
    %select_n3A_194 = arith.select %and3A_193, %min3A, %select_n3A_139 : i32
    %mul3A_195 = arith.constant 1024 : i32
    %mul3A_196 = arith.muli %select_n3A_194, %mul3A_195 : i32
    %parallel_loop3A = arith.constant 0 : i32
    %parallel_loop3A_197 = arith.constant 65 : i32
    %parallel_loop3A_198 = arith.constant 1 : i32
    scf.for %parallel_loop3A_298 = %parallel_loop3A to %parallel_loop3A_197 step %parallel_loop3A_198  : i32 {
      %parallel_loop3A_299 = arith.constant 16 : i32
      %parallel_loop3A_300 = arith.muli %parallel_loop3A_298, %parallel_loop3A_299 : i32
      %parallel_loop3A_301 = arith.addi %mul3A_2, %parallel_loop3A_300 : i32
      %parallel_loop3A_302 = vector.broadcast %parallel_loop3A_301 : i32 to vector<16xi32>
      %parallel_loop3A_303 = arith.addi %parallel_loop3A_302, %iota3A : vector<16xi32>
      %parallel_loop3A_304 = arith.constant 1 : i32
      %parallel_loop3A_305 = vector.broadcast %parallel_loop3A_304 : i32 to vector<16xi32>
      %parallel_loop3A_306 = arith.subi %parallel_loop3A_303, %parallel_loop3A_305 : vector<16xi32>
      %parallel_loop3A_307 = vector.broadcast %multiple_of3A : i32 to vector<16xi32>
      %parallel_loop3A_308 = arith.subi %parallel_loop3A_306, %parallel_loop3A_307 : vector<16xi32>
      %parallel_loop3A_309 = arith.constant 0 : i32
      %parallel_loop3A_310 = arith.constant 1039 : i32
      %parallel_loop3A_311 = vector.broadcast %parallel_loop3A_309 : i32 to vector<16xi32>
      %parallel_loop3A_312 = arith.maxsi %parallel_loop3A_311, %parallel_loop3A_308 : vector<16xi32>
      %parallel_loop3A_313 = vector.broadcast %parallel_loop3A_310 : i32 to vector<16xi32>
      %parallel_loop3A_314 = arith.minsi %parallel_loop3A_313, %parallel_loop3A_312 : vector<16xi32>
      %parallel_loop3A_315 = tpu.vector_load_idx %arg10[%parallel_loop3A_314] : memref<1040xi32, #tpu.memory_space<vmem>>[vector<16xi32>], vector<16xi32>,
      %parallel_loop3A_316 = arith.constant 16 : i32
      %parallel_loop3A_317 = arith.muli %parallel_loop3A_298, %parallel_loop3A_316 : i32
      %parallel_loop3A_318 = arith.index_cast %parallel_loop3A_317 : i32 to index
      %parallel_loop3A_319 = tpu.vector_load %arg11[%parallel_loop3A_318] {strides = array<i32>} : memref<1040xi32, #tpu.memory_space<vmem>>, vector<16xi32>,
      tpu.vector_store %arg11[%parallel_loop3A_318], %parallel_loop3A_315 {strides = array<i32>} : memref<1040xi32, #tpu.memory_space<vmem>>, vector<16xi32>,
    } {sc.loop_unroll_factor = 5 : i64, sc.parallel_access}
    %add3A_199 = arith.constant 0 : i32
    %add3A_200 = arith.addi %min3A, %add3A_199 : i32
    %mul3A_201 = arith.constant 1024 : i32
    %mul3A_202 = arith.muli %add3A_200, %mul3A_201 : i32
    %multiple_of3A_203 = tpu.assume_multiple %mul3A_202, 1024 : i32
    %dma_wait3A_204 = arith.constant 0 : i32
    %dma_wait3A_205 = tpu.memref_slice %arg9[%dma_wait3A_204] : memref<16384xi32, #tpu.memory_space<vmem>> -> memref<1024xi32, #tpu.memory_space<vmem>>
    %dma_wait3A_206 = tpu.memref_slice %arg4[%multiple_of3A_203] : memref<16384xi32, #tpu.memory_space<hbm>> -> memref<1024xi32, #tpu.memory_space<hbm>>
    %dma_wait3A_207 = arith.constant 0 : i32
    %dma_wait3A_208 = tpu.memref_slice %arg9[%dma_wait3A_207] : memref<16384xi32, #tpu.memory_space<vmem>> -> memref<1024xi32, #tpu.memory_space<vmem>>
    %dma_wait3A_209 = tpu.memref_slice %arg4[%multiple_of3A_203] : memref<16384xi32, #tpu.memory_space<hbm>> -> memref<1024xi32, #tpu.memory_space<hbm>>
    tpu.wait_dma2 semaphore(%arg15 : memref<!tpu.dma_semaphore, #tpu.memory_space<semaphore_mem>>) src(%dma_wait3A_209 : memref<1024xi32, #tpu.memory_space<hbm>>) dst(%dma_wait3A_208 : memref<1024xi32, #tpu.memory_space<vmem>>)
    %add3A_210 = arith.constant 1 : i32
    %add3A_211 = arith.addi %min3A, %add3A_210 : i32
    %mul3A_212 = arith.constant 1024 : i32
    %mul3A_213 = arith.muli %add3A_211, %mul3A_212 : i32
    %multiple_of3A_214 = tpu.assume_multiple %mul3A_213, 1024 : i32
    %dma_wait3A_215 = arith.constant 1024 : i32
    %dma_wait3A_216 = tpu.memref_slice %arg9[%dma_wait3A_215] : memref<16384xi32, #tpu.memory_space<vmem>> -> memref<1024xi32, #tpu.memory_space<vmem>>
    %dma_wait3A_217 = tpu.memref_slice %arg4[%multiple_of3A_214] : memref<16384xi32, #tpu.memory_space<hbm>> -> memref<1024xi32, #tpu.memory_space<hbm>>
    %dma_wait3A_218 = arith.constant 1024 : i32
    %dma_wait3A_219 = tpu.memref_slice %arg9[%dma_wait3A_218] : memref<16384xi32, #tpu.memory_space<vmem>> -> memref<1024xi32, #tpu.memory_space<vmem>>
    %dma_wait3A_220 = tpu.memref_slice %arg4[%multiple_of3A_214] : memref<16384xi32, #tpu.memory_space<hbm>> -> memref<1024xi32, #tpu.memory_space<hbm>>
    tpu.wait_dma2 semaphore(%arg15 : memref<!tpu.dma_semaphore, #tpu.memory_space<semaphore_mem>>) src(%dma_wait3A_220 : memref<1024xi32, #tpu.memory_space<hbm>>) dst(%dma_wait3A_219 : memref<1024xi32, #tpu.memory_space<vmem>>)
    %add3A_221 = arith.constant 2 : i32
    %add3A_222 = arith.addi %min3A, %add3A_221 : i32
    %mul3A_223 = arith.constant 1024 : i32
    %mul3A_224 = arith.muli %add3A_222, %mul3A_223 : i32
    %multiple_of3A_225 = tpu.assume_multiple %mul3A_224, 1024 : i32
    %dma_wait3A_226 = arith.constant 2048 : i32
    %dma_wait3A_227 = tpu.memref_slice %arg9[%dma_wait3A_226] : memref<16384xi32, #tpu.memory_space<vmem>> -> memref<1024xi32, #tpu.memory_space<vmem>>
    %dma_wait3A_228 = tpu.memref_slice %arg4[%multiple_of3A_225] : memref<16384xi32, #tpu.memory_space<hbm>> -> memref<1024xi32, #tpu.memory_space<hbm>>
    %dma_wait3A_229 = arith.constant 2048 : i32
    %dma_wait3A_230 = tpu.memref_slice %arg9[%dma_wait3A_229] : memref<16384xi32, #tpu.memory_space<vmem>> -> memref<1024xi32, #tpu.memory_space<vmem>>
    %dma_wait3A_231 = tpu.memref_slice %arg4[%multiple_of3A_225] : memref<16384xi32, #tpu.memory_space<hbm>> -> memref<1024xi32, #tpu.memory_space<hbm>>
    tpu.wait_dma2 semaphore(%arg15 : memref<!tpu.dma_semaphore, #tpu.memory_space<semaphore_mem>>) src(%dma_wait3A_231 : memref<1024xi32, #tpu.memory_space<hbm>>) dst(%dma_wait3A_230 : memref<1024xi32, #tpu.memory_space<vmem>>)
    %not3A = arith.constant true
    %not3A_232 = arith.xori %and3A_193, %not3A : i1
    %convert_element_type3A_233 = arith.extui %not3A_232 : i1 to i32
    %cond3A_234 = arith.constant 0 : i32
    %cond3A_235 = arith.cmpi ne, %convert_element_type3A_233, %cond3A_234 : i32
    scf.if %cond3A_235 {
      %while3A = arith.constant 0 : i32
      %while3A_298 = arith.constant 0 : i32
      %while3A_299 = arith.subi %add3A_166, %while3A_298 : i32
      %while3A_300 = arith.addi %while3A_298, %while3A_299 : i32
      %while3A_301 = arith.constant 1 : i32
      %while3A_302 = arith.divsi %while3A_299, %while3A_301 : i32
      %while3A_303 = arith.muli %while3A_302, %while3A_301 : i32
      %while3A_304 = arith.addi %while3A_298, %while3A_303 : i32
      %while3A_305 = arith.constant 1 : i32
      scf.for %while3A_317 = %while3A_298 to %while3A_304 step %while3A_305  : i32 {
        %add3A_318 = arith.addi %select_n3A_139, %while3A_317 : i32
        %mul3A_319 = arith.constant 1024 : i32
        %mul3A_320 = arith.muli %add3A_318, %mul3A_319 : i32
        %multiple_of3A_321 = tpu.assume_multiple %mul3A_320, 1024 : i32
        %mul3A_322 = arith.constant 1024 : i32
        %mul3A_323 = arith.muli %while3A_317, %mul3A_322 : i32
        %dma_start3A_324 = tpu.memref_slice %arg9[%mul3A_323] : memref<16384xi32, #tpu.memory_space<vmem>> -> memref<1024xi32, #tpu.memory_space<vmem>>
        %dma_start3A_325 = tpu.memref_slice %arg4[%multiple_of3A_321] : memref<16384xi32, #tpu.memory_space<hbm>> -> memref<1024xi32, #tpu.memory_space<hbm>>
        %dma_start3A_326 = tpu.memref_slice %arg9[%mul3A_323] : memref<16384xi32, #tpu.memory_space<vmem>> -> memref<1024xi32, #tpu.memory_space<vmem>>
        %dma_start3A_327 = tpu.memref_slice %arg4[%multiple_of3A_321] : memref<16384xi32, #tpu.memory_space<hbm>> -> memref<1024xi32, #tpu.memory_space<hbm>>
        tpu.enqueue_dma source(%dma_start3A_327 : memref<1024xi32, #tpu.memory_space<hbm>>) target(%dma_start3A_326 : memref<1024xi32, #tpu.memory_space<vmem>>) target_semaphore(%arg15 : memref<!tpu.dma_semaphore, #tpu.memory_space<semaphore_mem>>)
      }
      %while3A_306 = arith.constant 1 : i32
      scf.for %while3A_317 = %while3A_304 to %while3A_300 step %while3A_306  : i32 {
        %add3A_318 = arith.addi %select_n3A_139, %while3A_317 : i32
        %mul3A_319 = arith.constant 1024 : i32
        %mul3A_320 = arith.muli %add3A_318, %mul3A_319 : i32
        %multiple_of3A_321 = tpu.assume_multiple %mul3A_320, 1024 : i32
        %mul3A_322 = arith.constant 1024 : i32
        %mul3A_323 = arith.muli %while3A_317, %mul3A_322 : i32
        %dma_start3A_324 = tpu.memref_slice %arg9[%mul3A_323] : memref<16384xi32, #tpu.memory_space<vmem>> -> memref<1024xi32, #tpu.memory_space<vmem>>
        %dma_start3A_325 = tpu.memref_slice %arg4[%multiple_of3A_321] : memref<16384xi32, #tpu.memory_space<hbm>> -> memref<1024xi32, #tpu.memory_space<hbm>>
        %dma_start3A_326 = tpu.memref_slice %arg9[%mul3A_323] : memref<16384xi32, #tpu.memory_space<vmem>> -> memref<1024xi32, #tpu.memory_space<vmem>>
        %dma_start3A_327 = tpu.memref_slice %arg4[%multiple_of3A_321] : memref<16384xi32, #tpu.memory_space<hbm>> -> memref<1024xi32, #tpu.memory_space<hbm>>
        tpu.enqueue_dma source(%dma_start3A_327 : memref<1024xi32, #tpu.memory_space<hbm>>) target(%dma_start3A_326 : memref<1024xi32, #tpu.memory_space<vmem>>) target_semaphore(%arg15 : memref<!tpu.dma_semaphore, #tpu.memory_space<semaphore_mem>>)
      }
      %while3A_307 = arith.constant 0 : i32
      %while3A_308 = arith.constant 0 : i32
      %while3A_309 = arith.subi %add3A_166, %while3A_308 : i32
      %while3A_310 = arith.addi %while3A_308, %while3A_309 : i32
      %while3A_311 = arith.constant 1 : i32
      %while3A_312 = arith.divsi %while3A_309, %while3A_311 : i32
      %while3A_313 = arith.muli %while3A_312, %while3A_311 : i32
      %while3A_314 = arith.addi %while3A_308, %while3A_313 : i32
      %while3A_315 = arith.constant 1 : i32
      scf.for %while3A_317 = %while3A_308 to %while3A_314 step %while3A_315  : i32 {
        %add3A_318 = arith.addi %select_n3A_139, %while3A_317 : i32
        %mul3A_319 = arith.constant 1024 : i32
        %mul3A_320 = arith.muli %add3A_318, %mul3A_319 : i32
        %multiple_of3A_321 = tpu.assume_multiple %mul3A_320, 1024 : i32
        %mul3A_322 = arith.constant 1024 : i32
        %mul3A_323 = arith.muli %while3A_317, %mul3A_322 : i32
        %dma_wait3A_324 = tpu.memref_slice %arg9[%mul3A_323] : memref<16384xi32, #tpu.memory_space<vmem>> -> memref<1024xi32, #tpu.memory_space<vmem>>
        %dma_wait3A_325 = tpu.memref_slice %arg4[%multiple_of3A_321] : memref<16384xi32, #tpu.memory_space<hbm>> -> memref<1024xi32, #tpu.memory_space<hbm>>
        %dma_wait3A_326 = tpu.memref_slice %arg9[%mul3A_323] : memref<16384xi32, #tpu.memory_space<vmem>> -> memref<1024xi32, #tpu.memory_space<vmem>>
        %dma_wait3A_327 = tpu.memref_slice %arg4[%multiple_of3A_321] : memref<16384xi32, #tpu.memory_space<hbm>> -> memref<1024xi32, #tpu.memory_space<hbm>>
        tpu.wait_dma2 semaphore(%arg15 : memref<!tpu.dma_semaphore, #tpu.memory_space<semaphore_mem>>) src(%dma_wait3A_327 : memref<1024xi32, #tpu.memory_space<hbm>>) dst(%dma_wait3A_326 : memref<1024xi32, #tpu.memory_space<vmem>>)
      }
      %while3A_316 = arith.constant 1 : i32
      scf.for %while3A_317 = %while3A_314 to %while3A_310 step %while3A_316  : i32 {
        %add3A_318 = arith.addi %select_n3A_139, %while3A_317 : i32
        %mul3A_319 = arith.constant 1024 : i32
        %mul3A_320 = arith.muli %add3A_318, %mul3A_319 : i32
        %multiple_of3A_321 = tpu.assume_multiple %mul3A_320, 1024 : i32
        %mul3A_322 = arith.constant 1024 : i32
        %mul3A_323 = arith.muli %while3A_317, %mul3A_322 : i32
        %dma_wait3A_324 = tpu.memref_slice %arg9[%mul3A_323] : memref<16384xi32, #tpu.memory_space<vmem>> -> memref<1024xi32, #tpu.memory_space<vmem>>
        %dma_wait3A_325 = tpu.memref_slice %arg4[%multiple_of3A_321] : memref<16384xi32, #tpu.memory_space<hbm>> -> memref<1024xi32, #tpu.memory_space<hbm>>
        %dma_wait3A_326 = tpu.memref_slice %arg9[%mul3A_323] : memref<16384xi32, #tpu.memory_space<vmem>> -> memref<1024xi32, #tpu.memory_space<vmem>>
        %dma_wait3A_327 = tpu.memref_slice %arg4[%multiple_of3A_321] : memref<16384xi32, #tpu.memory_space<hbm>> -> memref<1024xi32, #tpu.memory_space<hbm>>
        tpu.wait_dma2 semaphore(%arg15 : memref<!tpu.dma_semaphore, #tpu.memory_space<semaphore_mem>>) src(%dma_wait3A_327 : memref<1024xi32, #tpu.memory_space<hbm>>) dst(%dma_wait3A_326 : memref<1024xi32, #tpu.memory_space<vmem>>)
      }
    } else {
    }
    %parallel_loop3A_236 = arith.constant 0 : i32
    %parallel_loop3A_237 = arith.constant 32 : i32
    %parallel_loop3A_238 = arith.constant 1 : i32
    scf.for %parallel_loop3A_298 = %parallel_loop3A_236 to %parallel_loop3A_237 step %parallel_loop3A_238  : i32 {
      %parallel_loop3A_299 = arith.constant 16 : i32
      %parallel_loop3A_300 = arith.muli %parallel_loop3A_298, %parallel_loop3A_299 : i32
      %parallel_loop3A_301 = arith.addi %mul3A_2, %parallel_loop3A_300 : i32
      %parallel_loop3A_302 = vector.broadcast %parallel_loop3A_301 : i32 to vector<16xi32>
      %parallel_loop3A_303 = arith.addi %parallel_loop3A_302, %iota3A : vector<16xi32>
      %parallel_loop3A_304 = arith.constant 16 : i32
      %parallel_loop3A_305 = arith.muli %parallel_loop3A_298, %parallel_loop3A_304 : i32
      %parallel_loop3A_306 = arith.index_cast %parallel_loop3A_305 : i32 to index
      %parallel_loop3A_307 = tpu.vector_load %arg11[%parallel_loop3A_306] {strides = array<i32>} : memref<1040xi32, #tpu.memory_space<vmem>>, vector<16xi32>,
      %parallel_loop3A_308 = vector.broadcast %mul3A_196 : i32 to vector<16xi32>
      %parallel_loop3A_309 = arith.subi %parallel_loop3A_307, %parallel_loop3A_308 : vector<16xi32>
      %parallel_loop3A_310 = tpu.vector_load_idx %arg9[%parallel_loop3A_309] : memref<16384xi32, #tpu.memory_space<vmem>>[vector<16xi32>], vector<16xi32>,
      %parallel_loop3A_311 = arith.constant 1 : i32
      %parallel_loop3A_312 = vector.broadcast %parallel_loop3A_311 : i32 to vector<16xi32>
      %parallel_loop3A_313 = arith.addi %parallel_loop3A_310, %parallel_loop3A_312 : vector<16xi32>
      %parallel_loop3A_314 = arith.constant 0 : i32
      %parallel_loop3A_315 = vector.broadcast %parallel_loop3A_314 : i32 to vector<16xi32>
      %parallel_loop3A_316 = arith.cmpi eq, %parallel_loop3A_303, %parallel_loop3A_315 : vector<16xi32>
      %parallel_loop3A_317 = arith.select %parallel_loop3A_316, %broadcast_in_dim3A_3, %parallel_loop3A_313 : vector<16xi1>, vector<16xi32>
      %parallel_loop3A_318 = arith.constant 16 : i32
      %parallel_loop3A_319 = arith.muli %parallel_loop3A_298, %parallel_loop3A_318 : i32
      %parallel_loop3A_320 = arith.index_cast %parallel_loop3A_319 : i32 to index
      %parallel_loop3A_321 = tpu.vector_load %arg12[%parallel_loop3A_320] {strides = array<i32>} : memref<1040xi32, #tpu.memory_space<vmem>>, vector<16xi32>,
      tpu.vector_store %arg12[%parallel_loop3A_320], %parallel_loop3A_317 {strides = array<i32>} : memref<1040xi32, #tpu.memory_space<vmem>>, vector<16xi32>,
    } {sc.loop_unroll_factor = 8 : i64, sc.parallel_access}
    %dma_start3A_239 = arith.constant 0 : i32
    %dma_start3A_240 = tpu.memref_slice %arg12[%dma_start3A_239] : memref<1040xi32, #tpu.memory_space<vmem>> -> memref<512xi32, #tpu.memory_space<vmem>>
    %dma_start3A_241 = tpu.memref_slice %arg8[%mul3A_2] : memref<32770xi32, #tpu.memory_space<hbm>> -> memref<512xi32, #tpu.memory_space<hbm>>
    %dma_start3A_242 = tpu.memref_slice %arg8[%mul3A_2] : memref<32770xi32, #tpu.memory_space<hbm>> -> memref<512xi32, #tpu.memory_space<hbm>>
    %dma_start3A_243 = arith.constant 0 : i32
    %dma_start3A_244 = tpu.memref_slice %arg12[%dma_start3A_243] : memref<1040xi32, #tpu.memory_space<vmem>> -> memref<512xi32, #tpu.memory_space<vmem>>
    tpu.enqueue_dma source(%dma_start3A_244 : memref<512xi32, #tpu.memory_space<vmem>>) target(%dma_start3A_242 : memref<512xi32, #tpu.memory_space<hbm>>) target_semaphore(%arg16 : memref<!tpu.dma_semaphore, #tpu.memory_space<semaphore_mem>>)
    %parallel_loop3A_245 = arith.constant 32 : i32
    %parallel_loop3A_246 = arith.constant 65 : i32
    %parallel_loop3A_247 = arith.constant 1 : i32
    scf.for %parallel_loop3A_298 = %parallel_loop3A_245 to %parallel_loop3A_246 step %parallel_loop3A_247  : i32 {
      %parallel_loop3A_299 = arith.constant 16 : i32
      %parallel_loop3A_300 = arith.muli %parallel_loop3A_298, %parallel_loop3A_299 : i32
      %parallel_loop3A_301 = arith.addi %mul3A_2, %parallel_loop3A_300 : i32
      %parallel_loop3A_302 = vector.broadcast %parallel_loop3A_301 : i32 to vector<16xi32>
      %parallel_loop3A_303 = arith.addi %parallel_loop3A_302, %iota3A : vector<16xi32>
      %parallel_loop3A_304 = arith.constant 16 : i32
      %parallel_loop3A_305 = arith.muli %parallel_loop3A_298, %parallel_loop3A_304 : i32
      %parallel_loop3A_306 = arith.index_cast %parallel_loop3A_305 : i32 to index
      %parallel_loop3A_307 = tpu.vector_load %arg11[%parallel_loop3A_306] {strides = array<i32>} : memref<1040xi32, #tpu.memory_space<vmem>>, vector<16xi32>,
      %parallel_loop3A_308 = vector.broadcast %mul3A_196 : i32 to vector<16xi32>
      %parallel_loop3A_309 = arith.subi %parallel_loop3A_307, %parallel_loop3A_308 : vector<16xi32>
      %parallel_loop3A_310 = tpu.vector_load_idx %arg9[%parallel_loop3A_309] : memref<16384xi32, #tpu.memory_space<vmem>>[vector<16xi32>], vector<16xi32>,
      %parallel_loop3A_311 = arith.constant 1 : i32
      %parallel_loop3A_312 = vector.broadcast %parallel_loop3A_311 : i32 to vector<16xi32>
      %parallel_loop3A_313 = arith.addi %parallel_loop3A_310, %parallel_loop3A_312 : vector<16xi32>
      %parallel_loop3A_314 = arith.constant 32769 : i32
      %parallel_loop3A_315 = vector.broadcast %parallel_loop3A_314 : i32 to vector<16xi32>
      %parallel_loop3A_316 = arith.cmpi sge, %parallel_loop3A_303, %parallel_loop3A_315 : vector<16xi32>
      %parallel_loop3A_317 = arith.select %parallel_loop3A_316, %broadcast_in_dim3A_3, %parallel_loop3A_313 : vector<16xi1>, vector<16xi32>
      %parallel_loop3A_318 = arith.constant 16 : i32
      %parallel_loop3A_319 = arith.muli %parallel_loop3A_298, %parallel_loop3A_318 : i32
      %parallel_loop3A_320 = arith.index_cast %parallel_loop3A_319 : i32 to index
      %parallel_loop3A_321 = tpu.vector_load %arg12[%parallel_loop3A_320] {strides = array<i32>} : memref<1040xi32, #tpu.memory_space<vmem>>, vector<16xi32>,
      tpu.vector_store %arg12[%parallel_loop3A_320], %parallel_loop3A_317 {strides = array<i32>} : memref<1040xi32, #tpu.memory_space<vmem>>, vector<16xi32>,
    } {sc.loop_unroll_factor = 11 : i64, sc.parallel_access}
    %add3A_248 = arith.constant 512 : i32
    %add3A_249 = arith.addi %mul3A_2, %add3A_248 : i32
    %dma_start3A_250 = arith.constant 512 : i32
    %dma_start3A_251 = tpu.memref_slice %arg12[%dma_start3A_250] : memref<1040xi32, #tpu.memory_space<vmem>> -> memref<512xi32, #tpu.memory_space<vmem>>
    %dma_start3A_252 = tpu.memref_slice %arg8[%add3A_249] : memref<32770xi32, #tpu.memory_space<hbm>> -> memref<512xi32, #tpu.memory_space<hbm>>
    %dma_start3A_253 = tpu.memref_slice %arg8[%add3A_249] : memref<32770xi32, #tpu.memory_space<hbm>> -> memref<512xi32, #tpu.memory_space<hbm>>
    %dma_start3A_254 = arith.constant 512 : i32
    %dma_start3A_255 = tpu.memref_slice %arg12[%dma_start3A_254] : memref<1040xi32, #tpu.memory_space<vmem>> -> memref<512xi32, #tpu.memory_space<vmem>>
    tpu.enqueue_dma source(%dma_start3A_255 : memref<512xi32, #tpu.memory_space<vmem>>) target(%dma_start3A_253 : memref<512xi32, #tpu.memory_space<hbm>>) target_semaphore(%arg16 : memref<!tpu.dma_semaphore, #tpu.memory_space<semaphore_mem>>)
    %eq3A_256 = arith.constant 1 : i32
    %eq3A_257 = arith.cmpi eq, %add3A, %eq3A_256 : i32
    %convert_element_type3A_258 = arith.extui %eq3A_257 : i1 to i32
    %cond3A_259 = arith.constant 0 : i32
    %cond3A_260 = arith.cmpi ne, %convert_element_type3A_258, %cond3A_259 : i32
    scf.if %cond3A_260 {
      %dma_wait3A_298 = arith.constant 0 : i32
      %dma_wait3A_299 = tpu.memref_slice %arg2[%dma_wait3A_298] : memref<32768xi32, #tpu.memory_space<hbm>> -> memref<128xi32, #tpu.memory_space<hbm>>
      %dma_wait3A_300 = arith.constant 0 : i32
      %dma_wait3A_301 = tpu.memref_slice %arg2[%dma_wait3A_300] : memref<32768xi32, #tpu.memory_space<hbm>> -> memref<128xi32, #tpu.memory_space<hbm>>
      tpu.wait_dma2 semaphore(%arg18 : memref<!tpu.dma_semaphore, #tpu.memory_space<semaphore_mem>>) src(%dma_wait3A_301 : memref<128xi32, #tpu.memory_space<hbm>>) dst(%arg13 : memref<128xi32, #tpu.memory_space<vmem>>)
      %scan3A = arith.constant 0 : i32
      %scan3A_302 = arith.constant 0 : i32
      %scan3A_303 = arith.constant 8 : i32
      %scan3A_304 = arith.addi %scan3A_302, %scan3A_303 : i32
      %scan3A_305 = arith.constant 1 : i32
      scf.for %scan3A_307 = %scan3A_302 to %scan3A_304 step %scan3A_305  : i32 {
        %mul3A_308 = arith.constant 16 : i32
        %mul3A_309 = arith.muli %scan3A_307, %mul3A_308 : i32
        %add3A_310 = vector.broadcast %mul3A_309 : i32 to vector<16xi32>
        %add3A_311 = arith.addi %add3A_310, %iota3A : vector<16xi32>
        %sub3A_312 = arith.constant 1 : i32
        %sub3A_313 = vector.broadcast %sub3A_312 : i32 to vector<16xi32>
        %sub3A_314 = arith.subi %add3A_311, %sub3A_313 : vector<16xi32>
        %jit3A_315 = arith.constant 0 : i32
        %jit3A_316 = arith.constant 127 : i32
        %max3A_317 = vector.broadcast %jit3A_315 : i32 to vector<16xi32>
        %max3A_318 = arith.maxsi %max3A_317, %sub3A_314 : vector<16xi32>
        %min3A_319 = vector.broadcast %jit3A_316 : i32 to vector<16xi32>
        %min3A_320 = arith.minsi %min3A_319, %max3A_318 : vector<16xi32>
        %gather3A = tpu.vector_load_idx %arg13[%min3A_320] : memref<128xi32, #tpu.memory_space<vmem>>[vector<16xi32>], vector<16xi32>,
        %eq3A_321 = arith.constant 0 : i32
        %eq3A_322 = vector.broadcast %eq3A_321 : i32 to vector<16xi32>
        %eq3A_323 = arith.cmpi eq, %add3A_311, %eq3A_322 : vector<16xi32>
        %broadcast_in_dim3A_324 = arith.constant 101 : i32
        %broadcast_in_dim3A_325 = vector.broadcast %broadcast_in_dim3A_324 : i32 to vector<16xi32>
        %select_n3A_326 = arith.select %eq3A_323, %broadcast_in_dim3A_325, %gather3A : vector<16xi1>, vector<16xi32>
        %eq3A_327 = arith.constant 127 : i32
        %eq3A_328 = vector.broadcast %eq3A_327 : i32 to vector<16xi32>
        %eq3A_329 = arith.cmpi eq, %add3A_311, %eq3A_328 : vector<16xi32>
        %broadcast_in_dim3A_330 = arith.constant 102 : i32
        %broadcast_in_dim3A_331 = vector.broadcast %broadcast_in_dim3A_330 : i32 to vector<16xi32>
        %select_n3A_332 = arith.select %eq3A_329, %broadcast_in_dim3A_331, %select_n3A_326 : vector<16xi1>, vector<16xi32>
        %mul3A_333 = arith.constant 16 : i32
        %mul3A_334 = arith.muli %scan3A_307, %mul3A_333 : i32
        %swap3A = arith.index_cast %mul3A_334 : i32 to index
        %swap3A_335 = tpu.vector_load %arg14[%swap3A] {strides = array<i32>} : memref<128xi32, #tpu.memory_space<vmem>>, vector<16xi32>,
        tpu.vector_store %arg14[%swap3A], %select_n3A_332 {strides = array<i32>} : memref<128xi32, #tpu.memory_space<vmem>>, vector<16xi32>,
      }
      %scan3A_306 = arith.constant 8 : i32
      tpu.enqueue_dma source(%arg14 : memref<128xi32, #tpu.memory_space<vmem>>) target(%arg5 : memref<128xi32, #tpu.memory_space<hbm>>) target_semaphore(%arg18 : memref<!tpu.dma_semaphore, #tpu.memory_space<semaphore_mem>>)
    } else {
    }
    %eq3A_261 = arith.constant 31 : i32
    %eq3A_262 = arith.cmpi eq, %add3A, %eq3A_261 : i32
    %convert_element_type3A_263 = arith.extui %eq3A_262 : i1 to i32
    %cond3A_264 = arith.constant 0 : i32
    %cond3A_265 = arith.cmpi ne, %convert_element_type3A_263, %cond3A_264 : i32
    scf.if %cond3A_265 {
      %dma_start3A_298 = arith.constant 1024 : i32
      %dma_start3A_299 = tpu.memref_slice %arg12[%dma_start3A_298] : memref<1040xi32, #tpu.memory_space<vmem>> -> memref<2xi32, #tpu.memory_space<vmem>>
      %dma_start3A_300 = arith.constant 32768 : i32
      %dma_start3A_301 = tpu.memref_slice %arg8[%dma_start3A_300] : memref<32770xi32, #tpu.memory_space<hbm>> -> memref<2xi32, #tpu.memory_space<hbm>>
      %dma_start3A_302 = arith.constant 32768 : i32
      %dma_start3A_303 = tpu.memref_slice %arg8[%dma_start3A_302] : memref<32770xi32, #tpu.memory_space<hbm>> -> memref<2xi32, #tpu.memory_space<hbm>>
      %dma_start3A_304 = arith.constant 1024 : i32
      %dma_start3A_305 = tpu.memref_slice %arg12[%dma_start3A_304] : memref<1040xi32, #tpu.memory_space<vmem>> -> memref<2xi32, #tpu.memory_space<vmem>>
      tpu.enqueue_dma source(%dma_start3A_305 : memref<2xi32, #tpu.memory_space<vmem>>) target(%dma_start3A_303 : memref<2xi32, #tpu.memory_space<hbm>>) target_semaphore(%arg16 : memref<!tpu.dma_semaphore, #tpu.memory_space<semaphore_mem>>)
    } else {
    }
    %dma_wait3A_266 = arith.constant 0 : i32
    %dma_wait3A_267 = tpu.memref_slice %arg12[%dma_wait3A_266] : memref<1040xi32, #tpu.memory_space<vmem>> -> memref<512xi32, #tpu.memory_space<vmem>>
    %dma_wait3A_268 = tpu.memref_slice %arg8[%mul3A_2] : memref<32770xi32, #tpu.memory_space<hbm>> -> memref<512xi32, #tpu.memory_space<hbm>>
    %dma_wait3A_269 = tpu.memref_slice %arg8[%mul3A_2] : memref<32770xi32, #tpu.memory_space<hbm>> -> memref<512xi32, #tpu.memory_space<hbm>>
    %dma_wait3A_270 = arith.constant 0 : i32
    %dma_wait3A_271 = tpu.memref_slice %arg12[%dma_wait3A_270] : memref<1040xi32, #tpu.memory_space<vmem>> -> memref<512xi32, #tpu.memory_space<vmem>>
    tpu.wait_dma2 semaphore(%arg16 : memref<!tpu.dma_semaphore, #tpu.memory_space<semaphore_mem>>) src(%dma_wait3A_271 : memref<512xi32, #tpu.memory_space<vmem>>) dst(%dma_wait3A_269 : memref<512xi32, #tpu.memory_space<hbm>>)
    %dma_wait3A_272 = arith.constant 512 : i32
    %dma_wait3A_273 = tpu.memref_slice %arg12[%dma_wait3A_272] : memref<1040xi32, #tpu.memory_space<vmem>> -> memref<512xi32, #tpu.memory_space<vmem>>
    %dma_wait3A_274 = tpu.memref_slice %arg8[%add3A_249] : memref<32770xi32, #tpu.memory_space<hbm>> -> memref<512xi32, #tpu.memory_space<hbm>>
    %dma_wait3A_275 = tpu.memref_slice %arg8[%add3A_249] : memref<32770xi32, #tpu.memory_space<hbm>> -> memref<512xi32, #tpu.memory_space<hbm>>
    %dma_wait3A_276 = arith.constant 512 : i32
    %dma_wait3A_277 = tpu.memref_slice %arg12[%dma_wait3A_276] : memref<1040xi32, #tpu.memory_space<vmem>> -> memref<512xi32, #tpu.memory_space<vmem>>
    tpu.wait_dma2 semaphore(%arg16 : memref<!tpu.dma_semaphore, #tpu.memory_space<semaphore_mem>>) src(%dma_wait3A_277 : memref<512xi32, #tpu.memory_space<vmem>>) dst(%dma_wait3A_275 : memref<512xi32, #tpu.memory_space<hbm>>)
    %eq3A_278 = arith.constant 31 : i32
    %eq3A_279 = arith.cmpi eq, %add3A, %eq3A_278 : i32
    %convert_element_type3A_280 = arith.extui %eq3A_279 : i1 to i32
    %cond3A_281 = arith.constant 0 : i32
    %cond3A_282 = arith.cmpi ne, %convert_element_type3A_280, %cond3A_281 : i32
    scf.if %cond3A_282 {
      %dma_wait3A_298 = arith.constant 1024 : i32
      %dma_wait3A_299 = tpu.memref_slice %arg12[%dma_wait3A_298] : memref<1040xi32, #tpu.memory_space<vmem>> -> memref<2xi32, #tpu.memory_space<vmem>>
      %dma_wait3A_300 = arith.constant 32768 : i32
      %dma_wait3A_301 = tpu.memref_slice %arg8[%dma_wait3A_300] : memref<32770xi32, #tpu.memory_space<hbm>> -> memref<2xi32, #tpu.memory_space<hbm>>
      %dma_wait3A_302 = arith.constant 32768 : i32
      %dma_wait3A_303 = tpu.memref_slice %arg8[%dma_wait3A_302] : memref<32770xi32, #tpu.memory_space<hbm>> -> memref<2xi32, #tpu.memory_space<hbm>>
      %dma_wait3A_304 = arith.constant 1024 : i32
      %dma_wait3A_305 = tpu.memref_slice %arg12[%dma_wait3A_304] : memref<1040xi32, #tpu.memory_space<vmem>> -> memref<2xi32, #tpu.memory_space<vmem>>
      tpu.wait_dma2 semaphore(%arg16 : memref<!tpu.dma_semaphore, #tpu.memory_space<semaphore_mem>>) src(%dma_wait3A_305 : memref<2xi32, #tpu.memory_space<vmem>>) dst(%dma_wait3A_303 : memref<2xi32, #tpu.memory_space<hbm>>)
    } else {
    }
    %eq3A_283 = arith.constant 1 : i32
    %eq3A_284 = arith.cmpi eq, %add3A, %eq3A_283 : i32
    %convert_element_type3A_285 = arith.extui %eq3A_284 : i1 to i32
    %cond3A_286 = arith.constant 0 : i32
    %cond3A_287 = arith.cmpi ne, %convert_element_type3A_285, %cond3A_286 : i32
    scf.if %cond3A_287 {
      tpu.wait_dma2 semaphore(%arg18 : memref<!tpu.dma_semaphore, #tpu.memory_space<semaphore_mem>>) src(%arg14 : memref<128xi32, #tpu.memory_space<vmem>>) dst(%arg5 : memref<128xi32, #tpu.memory_space<hbm>>)
    } else {
    }
    %eq3A_288 = arith.constant 2 : i32
    %eq3A_289 = arith.cmpi eq, %add3A, %eq3A_288 : i32
    %convert_element_type3A_290 = arith.extui %eq3A_289 : i1 to i32
    %cond3A_291 = arith.constant 0 : i32
    %cond3A_292 = arith.cmpi ne, %convert_element_type3A_290, %cond3A_291 : i32
    scf.if %cond3A_292 {
      tpu.wait_dma2 semaphore(%arg18 : memref<!tpu.dma_semaphore, #tpu.memory_space<semaphore_mem>>) src(%arg14 : memref<128xi32, #tpu.memory_space<vmem>>) dst(%arg6 : memref<128xi32, #tpu.memory_space<hbm>>)
    } else {
    }
    %eq3A_293 = arith.constant 3 : i32
    %eq3A_294 = arith.cmpi eq, %add3A, %eq3A_293 : i32
    %convert_element_type3A_295 = arith.extui %eq3A_294 : i1 to i32
    %cond3A_296 = arith.constant 0 : i32
    %cond3A_297 = arith.cmpi ne, %convert_element_type3A_295, %cond3A_296 : i32
    scf.if %cond3A_297 {
      tpu.wait_dma2 semaphore(%arg18 : memref<!tpu.dma_semaphore, #tpu.memory_space<semaphore_mem>>) src(%arg14 : memref<128xi32, #tpu.memory_space<vmem>>) dst(%arg7 : memref<128xi32, #tpu.memory_space<hbm>>)
    } else {
    }
    return
  }
}

</mosaic_0001>

<sc_bundles>
// kernel: _run.3.cloned.1.call-start
scs
__scs_entry_jumppad:
0x0: {  	(pc) =	sbr.rel $0x88, $3  }
0x1: {  	(tag) =	ssettag $0x0;
	lr =	simm.s32 $0x1  }
0x2: {  	[smem:$0x3F9E] =	sst lr;
	_ =	strace $0xD0000000  }
0x3: {  	_ = 	snop  }
0x4: {  	_ = 	snop  }
0x5: {  	_ = 	snop  }
0x6: {  	_ = 	snop  }
0x7: {  	_ = 	snop  }
__scs_overlays_trampoline_lowered:
0x8: {  	[smem:$0x3FAD] =	sst s0  }
0x9: {  	[smem:$0x3FAE] =	sst s1  }
0xa: {  	[smem:$0x3FAF] =	sst s2  }
0xb: {  	[smem:$0x3FB0] =	sst s3  }
0xc: {  	[smem:$0x3FB1] =	sst s4  }
0xd: {  	[smem:$0x3FB2] =	sst s5  }
0xe: {  	[smem:$0x3FB3] =	sst s6  }
0xf: {  	[smem:$0x3FB4] =	sst s7  }
0x10: {  	[smem:$0x3FB5] =	sst s8  }
0x11: {  	[smem:$0x3FB6] =	sst s9;
	s0 =	simm.s32 @!p0 $0x0  }
0x12: {  	s1 =	sld [smem:$0x3F9C];
	s0 =	simm.s32 @p0 $0x1  }
0x13: {  	[smem:$0x3FB7] =	sst s0;
	s0 =	simm.s32 @!p1 $0x0  }
0x14: {  	s2 =	sld [smem:$0x3F9B];
	s0 =	simm.s32 @p1 $0x1  }
0x15: {  	[smem:$0x3FB8] =	sst s0;
	s0 =	simm.s32 @!p2 $0x0  }
0x16: {  	s3 =	sld [smem:$0x3FDB];
	s0 =	simm.s32 @p2 $0x1  }
0x17: {  	s4 =	simm.s32 $0x1BF5;
	[smem:$0x3FBA] =	sst s0  }
0x18: {  	s0 =	sld [smem:$0x3F9D];
	_ =	swait.ge [sflag:s4], $0x0  }
0x19: {  	s7 =	sld [smem:$0x3F9E]  }
0x1a: {  	s8 =	sadd.s32 $0xFFFFE003, lr  }
0x1b: {  	s9 =	sadd.s32 $0xFFFFFEF7, lr;
	s5 =	simm.s32 $0xFFFFFFFF;
	p2 =	slt.u32 s8, $0xFFFFF086  }
0x1c: {  	p1 =	slt.u32 s9, $0xF7A;
	s5 =	simm.s32 @!p2 $0x0  }
0x1d: {  	s5 =	simm.s32 @p1 $0x1;
	p0 =	seq.s32 s7, s2  }
0x1e: {  	s7 =	smul.u32 @!p0 $0xF7A, s2;
	p2 =	seq.s32 @!p0 s5, $0x0  }
0x1f: {  	s9 =	smul.u32 $0xF7A, s1;
	s8 =	simm.s32 @!p0 $0x1BF5;
	p2 =	por !p2, p0  }
0x20: {  	[sflag:s8] =	ssyncset.s32 @!p0 $0xFFFFF086;
	s6 =	sadd.s32 @!p0 s3, s7;
	s7 =	simm.s32 @!p0 $0x108  }
0x21: {  	s3 =	sadd.s32 s3, s9;
	s6 =	sadd.s32 @!p0 $0x88, s6;
	s7 =	simm.s32 @p2 $0x1082  }
0x22: {  	[simem:s7], [sflag:s8] =	dma.local @!p0 [hbm:s6], $0xF7A  }
0x23: {  	s9 =	sor.u32 $0xD0000000, s2;
	s6 =	simm.s32 $0x108;
	_ =	swait.ge @!p0 [sflag:s8], $0x0  }
0x24: {  	s3 =	sadd.s32 $0x88, s3;
	s6 =	simm.s32 @!p1 $0x1082;
	[sflag:s4] =	ssyncset.s32 $0xFFFFF086  }
0x25: {  	[simem:s6], [sflag:s4] =	dma.local [hbm:s3], $0xF7A  }
0x26: {  	[smem:$0x3F9E] =	sst s1;
	(tag) =	ssettag s2;
	_ =	strace s9  }
0x27: {  	s1 =	sld [smem:$0x3FAE]  }
0x28: {  	s2 =	sld [smem:$0x3FAF]  }
0x29: {  	s4 =	sld [smem:$0x3FB1]  }
0x2a: {  	p0 =	seq.s32 s5, $0x0;
	s5 =	sld [smem:$0x3FB2]  }
0x2b: {  	s6 =	sld [smem:$0x3FB3]  }
0x2c: {  	s7 =	sld [smem:$0x3FB4]  }
0x2d: {  	s3 =	simm.s32 $0x108;
	s8 =	sld [smem:$0x3FB5]  }
0x2e: {  	s3 =	simm.s32 @!p0 $0x1082;
	s9 =	sld [smem:$0x3FB6]  }
0x2f: {  	lr =	sadd.s32 s0, s3;
	s0 =	sld [smem:$0x3FAD]  }
0x30: {  	s3 =	sld [smem:$0x3FB0]  }
0x31: {  	[smem:$0x3FB9] =	sst s10  }
0x32: {  	s10 =	sld [smem:$0x3FB7];
	_ =	sdelay $0x3  }
0x33: {  	p0 =	seq.s32 s10, $0x1;
	s10 =	sld [smem:$0x3FB9];
	_ =	sdelay $0x3  }
0x34: {  	[smem:$0x3FB9] =	sst s10  }
0x35: {  	s10 =	sld [smem:$0x3FB8];
	_ =	sdelay $0x3  }
0x36: {  	p1 =	seq.s32 s10, $0x1;
	s10 =	sld [smem:$0x3FB9];
	_ =	sdelay $0x3  }
0x37: {  	[smem:$0x3FB9] =	sst s10  }
0x38: {  	s10 =	sld [smem:$0x3FBA]  }
0x39: {  	_ = 	snop;
	(pc) =	sbr.ind lr, $3  }
0x3a: {  	_ = 	snop  }
0x3b: {  	_ = 	snop  }
0x3c: {  	p2 =	seq.s32 s10, $0x1;
	s10 =	sld [smem:$0x3FB9]  }
0x3d: {  	_ =	shalt  }
0x3e: {  	_ =	shalt  }
0x3f: {  	_ =	shalt  }
0x40: {  	_ =	shalt  }
0x41: {  	_ =	shalt  }
0x42: {  	_ =	shalt  }
0x43: {  	_ =	shalt  }
0x44: {  	_ =	shalt  }
0x45: {  	_ =	shalt  }
0x46: {  	_ =	shalt  }
0x47: {  	_ =	shalt  }
0x48: {  	_ =	shalt  }
0x49: {  	_ =	shalt  }
0x4a: {  	_ =	shalt  }
0x4b: {  	_ =	shalt  }
0x4c: {  	_ =	shalt  }
0x4d: {  	_ =	shalt  }
0x4e: {  	_ =	shalt  }
0x4f: {  	_ =	shalt  }
0x50: {  	_ =	shalt  }
0x51: {  	_ =	shalt  }
0x52: {  	_ =	shalt  }
0x53: {  	_ =	shalt  }
0x54: {  	_ =	shalt  }
0x55: {  	_ =	shalt  }
0x56: {  	_ =	shalt  }
0x57: {  	_ =	shalt  }
0x58: {  	_ =	shalt  }
0x59: {  	_ =	shalt  }
0x5a: {  	_ =	shalt  }
0x5b: {  	_ =	shalt  }
0x5c: {  	_ =	shalt  }
0x5d: {  	_ =	shalt  }
0x5e: {  	_ =	shalt  }
0x5f: {  	_ =	shalt  }
0x60: {  	_ =	shalt  }
0x61: {  	_ =	shalt  }
0x62: {  	_ =	shalt  }
0x63: {  	_ =	shalt  }
0x64: {  	_ =	shalt  }
0x65: {  	_ =	shalt  }
0x66: {  	_ =	shalt  }
0x67: {  	_ =	shalt  }
0x68: {  	_ =	shalt  }
0x69: {  	_ =	shalt  }
0x6a: {  	_ =	shalt  }
0x6b: {  	_ =	shalt  }
0x6c: {  	_ =	shalt  }
0x6d: {  	_ =	shalt  }
0x6e: {  	_ =	shalt  }
0x6f: {  	_ =	shalt  }
0x70: {  	_ =	shalt  }
0x71: {  	_ =	shalt  }
0x72: {  	_ =	shalt  }
0x73: {  	_ =	shalt  }
0x74: {  	_ =	shalt  }
0x75: {  	_ =	shalt  }
0x76: {  	_ =	shalt  }
0x77: {  	_ =	shalt  }
0x78: {  	_ =	shalt  }
0x79: {  	_ =	shalt  }
0x7a: {  	_ =	shalt  }
0x7b: {  	_ =	shalt  }
0x7c: {  	_ =	shalt  }
0x7d: {  	_ =	shalt  }
0x7e: {  	_ =	shalt  }
0x7f: {  	_ =	shalt  }
0x80: {  	_ =	shalt  }
0x81: {  	_ =	shalt  }
0x82: {  	_ =	shalt  }
0x83: {  	_ =	shalt  }
0x84: {  	_ =	shalt  }
0x85: {  	_ =	shalt  }
0x86: {  	_ =	shalt  }
0x87: {  	_ =	shalt  }
.Lfunc_end0:
.L_simem_size_0:
called_computation_lowered:
.L_overlay_start_0:
0x88: {  	s2 =	sld [smem:$0x3FD9]  }
0x89: {  	s3 =	sld [smem:$0x3FFE];
	_ =	sdelay $0x1  }
0x8a: {  	s1 =	srdreg.scid  }
0x8b: {  	s0 =	sand.u32 $0x1, s1  }
0x8c: {  	s15 =	sshll.u32 s0, $0xA;
	s2 =	sadd.s32 s3, s2  }
0x8d: {  	s2 =	sadd.s32 s2, s15  }
0x8e: {  	[smem:$0x3FC5] =	sst s2  }
0x8f: {  	_ = 	snop  }
0x90: {  	s2 =	sld [smem:$0x3FD0]  }
0x91: {  	s16 =	sld [smem:$0x3FC9]  }
0x92: {  	s4 =	sld [smem:$0x3FC8]  }
0x93: {  	s6 =	simm.s32 $0xA;
	s7 =	simm.s32 $0x10;
	s5 =	sld [smem:$0x3FC7]  }
0x94: {  	[smem:s7], [sflag:s6] =	dma.local [hbm:s2], $0x1  }
0x95: {  	_ =	swait.eq [sflag:s6], $0x1  }
0x96: {  	s17 =	sld [smem:$0x10]  }
0x97: {  	s18 =	sld [smem:$0x11];
	[sflag:s6] =	ssyncset.done $0x0  }
0x98: {  	s8 =	sld [smem:$0x12];
	[sflag:s6] =	ssyncadd.s32 $0xFFFFFFFF  }
0x99: {  	s19 =	sld [smem:$0x13];
	(tm) =	ssettm $0x1  }
0x9a: {  	s9 =	sld [smem:$0x3FFB];
	_ =	sdelay $0x3  }
0x9b: {  	_ =	strace s9  }
0x9c: {  	s9 =	sld [smem:$0x3FFC];
	_ =	sdelay $0x3  }
0x9d: {  	_ =	strace s9  }
0x9e: {  	s9 =	sld [smem:$0x3FFD];
	_ =	sdelay $0x3  }
0x9f: {  	_ =	strace s9  }
0xa0: {  	_ =	strace $0x8FFFFFFF  }
0xa1: {  	s20 =	sld [smem:$0x3FDB];
	_ =	sdelay $0x1  }
0xa2: {  	s10 =	simm.s32 $_scs_section_size  }
0xa3: {  	s11 =	simm.s32 $_size__tile_overlayer_lowered;
	s12 =	simm.s32 $_tile_overlayer_lowered  }
0xa4: {  	s23 =	simm.s32 $0x1BFF;
	s22 =	sshll.u32 s12, $0x1;
	s9 =	sadd.s32 s10, s20  }
0xa5: {  	s13 =	simm.s32 $0x0;
	s21 =	sshll.u32 s11, $0x1;
	s11 =	sadd.s32 s22, s9  }
0xa6: {  	[timem:s13], [sflag:s23] =	dma.local [hbm:s11], s21  }
0xa7: {  	_ =	swait.ge [sflag:s23], s21  }
0xa8: {  	s10 =	ssub.s32 $0x0, s21;
	[sflag:s23] =	ssyncset.done $0x0  }
0xa9: {  	[sflag:s23] =	ssyncadd.s32 s10;
	_ =	sdelay $0x1  }
0xaa: {  	s24 =	simm.s32 $0x1B8B  }
0xab: {  	_ =	swait.ge [sflag:s24], $0x1  }
0xac: {  	[sflag:s24] =	ssyncset.done $0x0  }
0xad: {  	s25 =	simm.s32 $0x1B8E;
	[sflag:s24] =	ssyncadd.s32 $0xFFFFFFFF  }
0xae: {  	s26 =	simm.s32 $execute0_lowered;
	[smem:$0x3FD2] =	sst s25  }
0xaf: {  	s10 =	sshll.u32 s26, $0x1;
	_ =	strace $0x80000046;
	[dreg:$0x1] =	wrdreg $0xFFFFFFFF  }
0xb0: {  	s28 =	simm.s32 $_size_execute0_lowered;
	s9 =	sadd.s32 s9, s10;
	[dreg:$0x0] =	wrdreg $0x0  }
0xb1: {  	s10 =	sshll.u32 s28, $0x1;
	[dreg:$0x2] =	wrdreg s9  }
0xb2: {  	[dreg:$0x3] =	wrdreg s10  }
0xb3: {  	[dreg:$0x4] =	wrdreg $0xC0  }
0xb4: {  	_ =	task [dreg:s13], $0x5FFFF  }
0xb5: {  	[dreg:$0x1] =	wrdreg $0xFFFFFFFF  }
0xb6: {  	[dreg:$0x0] =	wrdreg $0x60  }
0xb7: {  	[dreg:$0x2] =	wrdreg s16  }
0xb8: {  	[dreg:$0x3] =	wrdreg s4  }
0xb9: {  	[dreg:$0x4] =	wrdreg s5  }
0xba: {  	[dreg:$0x5] =	wrdreg s17  }
0xbb: {  	[dreg:$0x6] =	wrdreg s18  }
0xbc: {  	[dreg:$0x7] =	wrdreg s8  }
0xbd: {  	[dreg:$0x8] =	wrdreg s19  }
0xbe: {  	[dreg:$0x9] =	wrdreg $0x9  }
0xbf: {  	_ =	task.clear_ibuf [dreg:s13], $0xAFFFF;
	_ =	strace $0x90000046  }
0xc0: {  	s29 =	simm.s32 $0x9;
	_ =	strace $0x80000048  }
0xc1: {  	_ =	swait.ge [sflag:s29], $0x1  }
0xc2: {  	[sflag:s29] =	ssyncadd.s32 $0xFFFFFFFF  }
0xc3: {  	_ =	strace $0x90000048  }
0xc4: {  	_ =	sfence  }
0xc5: {  	s30 =	sld [smem:$0x0];
	_ =	sdelay $0x2  }
0xc6: {  	s31 =	sshll.u32 s1, $0xD;
	s1 =	sshrl.u32 s1, $0x2  }
0xc7: {  	s3 =	sand.u32 $0x4000, s31;
	s1 =	sadd.s32 s1, s30  }
0xc8: {  	s0 =	sor.u32 s3, s0;
	s1 =	sshll.u32 s1, $0x11  }
0xc9: {  	s0 =	sor.u32 s1, s0  }
0xca: {  	s0 =	sadd.s32 $0x8F2B, s0  }
0xcb: {  	[sflag:s0] =	ssyncadd.remote.s32 $0x1  }
0xcc: {  	_ =	sfence.sel $0xFFFF  }
0xcd: {  	[dreg:$0x0] =	wrdreg $0xFFFFFFFF;
	(pc) =	sbr.abs _section_cstart, $3  }
0xce: {  	[dreg:$0x1] =	wrdreg $0xFFFFFFFF  }
0xcf: {  	_ =	task.clear_ibuf [dreg:s13], $0x2FFFF;
	_ =	strace $0x9FFFFFFF  }
0xd0: {  	(tm) =	ssettm $0x7FFFFFFF  }
0xd1: {  	_ =	shalt  }
tec
execute0_lowered:
.L_overlay_start_1:
0x0: {  	(tag) =	ssettag $0x1  }
0x1: {  	s0 =	srdreg.scid  }
0x2: {  	s18 =	stileid.u32;
	s1 =	rddreg [dreg:$0x1]  }
0x3: {  	s2 =	rddreg [dreg:$0x2];
	s3 =	sand.u32 $0x1, s0;
	s20 =	sshll.u32 s18, $0x1  }
0x4: {  	s6 =	rddreg [dreg:$0x6];
	s0 =	sor.u32 s3, s20  }
0x5: {  	s29 =	simm.s32 $0x2;
	s30 =	simm.s32 $0x4;
	s4 =	sshll.u32 s0, $0x9  }
0x6: {  	s31 =	simm.s32 $0x4D80;
	p0 =	seq.s32 s18, $0x0;
	s4 =	sadd.s32 $0xFFFFFE00, s4  }
0x7: {  	s26 =	sadd.s32 $0x1000, s6;
	s28 =	sshll.u32 s18, $0xB;
	s5 =	sshrl.u32 s4, $0x9  }
0x8: {  	s10 =	ssub.s32 $0x2, s3;
	s7 =	sshrl.u32 s4, $0x15;
	s5 =	sand.u32 $0x1, s5  }
0x9: {  	s3 =	sshll.u32 s3, $0xA;
	s7 =	sand.u32 $0x3FF, s7;
	p1 =	seq.s32 s5, $0x1  }
0xa: {  	s8 =	sshll.u32 s0, $0xA;
	s4 =	sadd.s32 s7, s4;
	p0 =	por !p0, !p1  }
0xb: {  	s5 =	simm.s32 $0x1;
	s4 =	sshll.u32 s4, $0x10;
	p0 =	por !p0, !p0  }
0xc: {  	s22 =	sshrl.u32 s10, $0x1;
	s4 =	sshra.s32 s4, $0x1A;
	s5 =	simm.s32 @!p0 $0x0  }
0xd: {  	s25 =	sshll.u32 s0, $0x7;
	s20 =	sor.u32 s3, s28;
	s4 =	ssub.s32 s4, s5  }
0xe: {  	s21 =	smax.u32 s8, $0x10;
	s23 =	ssub.s32 s10, s22;
	p0 =	sgt.s32 s4, $0x0  }
0xf: {  	s15 =	sadd.s32 s6, s25;
	s4 =	simm.s32 @!p0 $0x0;
	p0 =	seq.s32 s0, $0x3  }
0x10: {  	s8 =	sadd.s32 $0xFFFFFFF0, s21;
	s17 =	sadd.s32 $0x40, s15;
	p3 =	seq.s32 @!p0 s0, $0x2  }
0x11: {  	s19 =	smax.u32 s23, $0x1;
	s21 =	simm.s32 $0x4000;
	p1 =	por p3, p0  }
0x12: {  	s11 =	sshrl.u32 s8, $0x3;
	s7 =	simm.s32 $0x0;
	p4 =	sne.s32 @!p1 s0, $0x1  }
0x13: {  	s10 =	sadd.s32 s1, s11;
	[smem:$0x7FF] =	sst s7;
	p2 =	por @!p0 p4, p3  }
0x14: {  	s11 =	simm.s32 $0x1;
	_ =	strace $0x80000047;
	p2 =	por p2, p0  }
0x15: {  	p1 =	por !p3, p0;
	p3 =	por @!p0 !p4, p3;
	s1 =	simm.s32 @!p2 $0x0  }
0x16: {  	[dreg:$0x8] =	wrdreg s26;
	s1 =	simm.s32 @p2 $0x1;
	p2 =	por !p3, p0  }
0x17: {  	s9 =	smin.u32 s4, $0xD;
	[smem:$0x7FA] =	sst s1;
	s1 =	simm.s32 @!p2 $0x0  }
0x18: {  	s24 =	sshll.u32 s9, $0x7;
	s1 =	simm.s32 @p2 $0x1;
	p2 =	seq.s32 s0, $0x1F  }
.Ltmp0:
0x19: {  	[smem:$0x7FB] =	sst s1;
	s1 =	simm.s32 @!p2 $0x0;
	(pc) =	sbr.rel .LBB2_1-.Ltmp0, $4  }
0x1a: {  	v0 =	vlaneseq.u32;
	s16 =	sadd.s32 $0x3, s9;
	s1 =	simm.s32 @p2 $0x1;
	p2 =	sne.s32 s0, $0x1  }
0x1b: {  	v3 =	vmul.u32 $0xFFFFFFFF, v0;
	s12 =	sadd.s32 s2, s24;
	s24 =	simm.s32 $0x3;
	s0 =	simm.s32 @!p2 $0x0  }
0x1c: {  	s13 =	sadd.s32 $0x80, s12;
	[smem:$0x7FC] =	sst s1;
	s0 =	simm.s32 @p2 $0x1  }
0x1d: {  	v1 =	vadd.s32 $0xFFFFFFFF, v0;
	v2 =	vadd.s32 $0x8000, v3;
	v3 =	vadd.s32 $0x7F, v3;
	s14 =	sadd.s32 $0x100, s12;
	[smem:$0x7FD] =	sst s0;
	s0 =	simm.s32 $0x0  }
.LBB2_21:
0x1e: {  	s1 =	rddreg [dreg:$0x8];
	s3 =	simm.s32 $0x4D00  }
0x1f: {  	[hbm4b:s1+s7] =	stream.linear.scatter [tilespmem:s3], [sflag:$0x2], $0x2, $0x38;
	[tilespmem:$0x4E80] =	vst v63  }
0x20: {  	_ =	swait.ge [sflag:s29], $0x200  }
0x21: {  	[sflag:s29] =	ssyncset.done $0x0  }
0x22: {  	[sflag:s29] =	ssyncadd.s32 $0xFFFFFE00  }
0x23: {  	_ =	swait.ge [sflag:s29], $0x200  }
0x24: {  	[sflag:s29] =	ssyncset.done $0x0  }
0x25: {  	[sflag:s29] =	ssyncadd.s32 $0xFFFFFE00  }
0x26: {  	_ =	swait.ge [sflag:s29], $0x2  }
0x27: {  	[sflag:s29] =	ssyncset.done $0x0  }
0x28: {  	[sflag:s29] =	ssyncadd.s32 $0xFFFFFFFE  }
.LBB2_19:
0x29: {  	s1 =	simm.s32 @p3 $0x4;
	s0 =	sadd.s32 $0x1, s0  }
0x2a: {  	_ =	swait.ge @p3 [sflag:s1], $0x80;
	p2 =	sne.s32 s0, s19  }
.Ltmp1:
0x2b: {  	[sflag:s1] =	ssyncset.done @p3 $0x0;
	(pc) =	sbr.rel @!p2 .LBB2_20-.Ltmp1, $4  }
0x2c: {  	[sflag:s1] =	ssyncadd.s32 @p3 $0xFFFFFF80;
	s1 =	simm.s32 @p6 $0x4  }
0x2d: {  	_ =	swait.ge @p6 [sflag:s1], $0x80  }
0x2e: {  	[sflag:s1] =	ssyncset.done @p6 $0x0  }
0x2f: {  	[sflag:s1] =	ssyncadd.s32 @p6 $0xFFFFFF80  }
.LBB2_1:
0x30: {  	[tilespmem:s21], [sflag:$0x3] =	stream.linear.gather [hbm4b:s10+s7], $0x410, $0x38;
	[tilespmem:$0x4E80] =	vst v63  }
0x31: {  	_ = 	snop  }
0x32: {  	[tilespmem:s7], [sflag:$0x1] =	stream.linear.gather [hbm4b:s12+s7], $0x400, $0x38;
	[tilespmem:$0x4E80] =	vst v63  }
0x33: {  	s1 =	simm.s32 $0x400  }
0x34: {  	[tilespmem:s1], [sflag:$0x1] =	stream.linear.gather [hbm4b:s13+s7], $0x400, $0x38;
	[tilespmem:$0x4E80] =	vst v63  }
0x35: {  	s18 =	simm.s32 $0x800  }
0x36: {  	v4 =	vimm.s32 @p0 $0x0;
	[tilespmem:s18], [sflag:$0x1] =	stream.linear.gather [hbm4b:s14+s7], $0x400, $0x38;
	[tilespmem:$0x4E80] =	vst v63  }
0x37: {  	[tilespmem:$0x4E00] =	vst @p0 v4  }
0x38: {  	[tilespmem:$0x4E10] =	vst @p0 v4  }
0x39: {  	[tilespmem:$0x4E20] =	vst @p0 v4  }
0x3a: {  	[tilespmem:$0x4E30] =	vst @p0 v4  }
0x3b: {  	[tilespmem:$0x4E40] =	vst @p0 v4  }
0x3c: {  	[tilespmem:$0x4E50] =	vst @p0 v4  }
0x3d: {  	[tilespmem:$0x4E60] =	vst @p0 v4  }
0x3e: {  	s3 =	simm.s32 @p0 $0x4E00;
	s4 =	rddreg [dreg:$0x5];
	s1 =	simm.s32 @p0 $0x0;
	[tilespmem:$0x4E70] =	vst @p0 v4  }
0x3f: {  	v4 =	vimm.s32 @!p1 $0x1;
	[hbm4b:s4+s1] =	stream.linear.scatter @p0 [tilespmem:s3], [sflag:$0x4], $0x80, $0x38;
	[tilespmem:$0x4E80] =	vst v63  }
0x40: {  	[tilespmem:$0x4E00] =	vst @!p1 v4  }
0x41: {  	[tilespmem:$0x4E10] =	vst @!p1 v4  }
0x42: {  	[tilespmem:$0x4E20] =	vst @!p1 v4  }
0x43: {  	s26 =	sld [smem:$0x7FA];
	[tilespmem:$0x4E30] =	vst @!p1 v4  }
0x44: {  	s22 =	ssub.s32 s20, s8;
	[tilespmem:$0x4E40] =	vst @!p1 v4  }
0x45: {  	s28 =	sadd.s32 $0x50, s20;
	s23 =	sadd.s32 $0x40, s22;
	s5 =	sadd.s32 $0x20, s22;
	[tilespmem:$0x4E50] =	vst @!p1 v4  }
0x46: {  	s25 =	sadd.s32 $0x10, s22;
	v5 =	vadd.s32 s23, v1;
	v7 =	vadd.s32 s5, v1;
	s5 =	rddreg [dreg:$0x0];
	p2 =	seq.s32 s26, $0x1;
	[tilespmem:$0x4E60] =	vst @!p1 v4  }
0x47: {  	v6 =	vadd.s32 s25, v1;
	vm1 =	vgt.s32 v5, $0x0;
	s1 =	simm.s32 @!p1 $0x0;
	s3 =	simm.s32 @!p1 $0x4E00;
	s4 =	rddreg [dreg:$0x4];
	[tilespmem:$0x4E70] =	vst @!p1 v4  }
0x48: {  	vm2 =	vgt.s32 v6, $0x0;
	v5 =	vnsel vm1, $0x0, v5;
	vm1 =	vgt.s32 v7, $0x0;
	[hbm4b:s4+s1] =	stream.linear.scatter @!p1 [tilespmem:s3], [sflag:$0x4], $0x80, $0x38;
	[tilespmem:$0x4E80] =	vst v63  }
0x49: {  	v6 =	vnsel vm2, $0x0, v6;
	v5 =	vmin.u32 v5, $0x40F;
	v7 =	vnsel vm1, $0x0, v7;
	s3 =	simm.s32 @!p2 $0x0;
	s4 =	simm.s32 @!p2 $0x4D80;
	s1 =	sadd.s32 $0x30, s22  }
0x4a: {  	v6 =	vmin.u32 v6, $0x40F;
	v4 =	vadd.s32 s22, v1;
	v8 =	vadd.s32 s1, v1;
	[tilespmem:s4], [sflag:$0x4] =	stream.linear.gather @!p2 [hbm4b:s5+s3], $0x80, $0x38;
	[tilespmem:$0x4E80] =	vst v63  }
0x4b: {  	v7 =	vmin.u32 v7, $0x40F;
	vm0 =	vgt.s32 v4, $0x0;
	vm3 =	vgt.s32 v8, $0x0;
	s4 =	ssub.s32 s28, s8  }
0x4c: {  	s22 =	sadd.s32 $0x50, s28;
	v4 =	vnsel vm0, $0x0, v4;
	_ =	swait.ge [sflag:s24], $0x410;
	v8 =	vnsel vm3, $0x0, v8;
	v9 =	vadd.s32 s4, v1;
	s5 =	sadd.s32 $0x40, s4  }
0x4d: {  	v10 =	vmin.u32 v4, $0x40F;
	s18 =	sadd.s32 $0x10, s4;
	s6 =	sadd.s32 $0x20, s4;
	[sflag:s24] =	ssyncset.done $0x0;
	v8 =	vmin.u32 v8, $0x40F;
	vm0 =	vgt.s32 v9, $0x0  }
0x4e: {  	s23 =	ssub.s32 s22, s8;
	s3 =	sadd.s32 $0x30, s4;
	v11 =	vadd.s32 s5, v1;
	v12 =	vadd.s32 s18, v1;
	v13 =	vadd.s32 s6, v1;
	[sflag:s24] =	ssyncadd.s32 $0xFFFFFBF0  }
0x4f: {  	v14 =	vadd.s32 s3, v1;
	s18 =	sadd.s32 $0x20, s23;
	vm1 =	vgt.s32 v11, $0x0;
	vm2 =	vgt.s32 v12, $0x0;
	v4 =	vld [tilespmem:$0x4000]  }
0x50: {  	s25 =	sld [smem:$0x7FB];
	vm3 =	vgt.s32 v14, $0x0;
	v19 =	vadd.s32 s18, v1;
	v15 =	vld.idx.msk [tilespmem:v5+s21+$0x0], $0xffff;
	v5 =	vnsel vm1, $0x0, v11  }
0x51: {  	vm1 =	vgt.s32 v13, $0x0;
	v16 =	vld.idx.msk [tilespmem:v6+s21+$0x0], $0xffff;
	v11 =	vmin.u32 v5, $0x40F;
	v5 =	vnsel vm2, $0x0, v12  }
0x52: {  	p4 =	por $0x0, $0x0;
	s3 =	sadd.s32 $0x30, s23;
	v6 =	vnsel vm1, $0x0, v13;
	v12 =	vnsel vm3, $0x0, v14;
	v13 =	vld.idx.msk [tilespmem:v7+s21+$0x0], $0xffff;
	v14 =	vmin.u32 v5, $0x40F  }
0x53: {  	p3 =	por @!p2 $0x0, $0x0;
	s26 =	sadd.s32 $0x40, s23;
	v20 =	vadd.s32 s3, v1;
	v7 =	vnsel vm0, $0x0, v9;
	p2 =	seq.s32 s25, $0x1;
	v17 =	vmin.u32 v6, $0x40F;
	v18 =	vld.idx.msk [tilespmem:v8+s21+$0x0], $0xffff  }
0x54: {  	s1 =	simm.s32 $0x44A0;
	v9 =	vld.idx.msk [tilespmem:v10+s21+$0x0], $0xffff;
	p4 =	por @!p2 p3, p3;
	v5 =	vmin.u32 v7, $0x40F;
	v7 =	vmin.u32 v12, $0x40F;
	v12 =	vadd.s32 s26, v1  }
0x55: {  	p5 =	por @!p1 $0x0, $0x0;
	s28 =	sadd.s32 $0x10, s23;
	vm3 =	vgt.s32 v20, $0x0;
	v6 =	vadd.s32 s23, v1;
	v8 =	vld [tilespmem:$0x4400];
	p3 =	por p4, p4;
	vm1 =	vgt.s32 v12, $0x0;
	[tilespmem:s1+$0x20] =	vst v15  }
0x56: {  	p6 =	por @p0 $0x1, $0x1;
	vm0 =	vgt.s32 v6, $0x0;
	p3 =	por @!p1 p5, p5;
	p5 =	por @!p1 $0x1, $0x1;
	v15 =	vadd.s32 s28, v1;
	[tilespmem:s1+$0xFFFFFFF0] =	vst v16;
	v10 =	vld.idx.msk [tilespmem:v11+s21+$0x0], $0xffff;
	v11 =	vnsel vm1, $0x0, v12  }
0x57: {  	p4 =	por @!p1 p5, p5;
	p6 =	por @!p0 p3, p3;
	p3 =	por @p0 $0x0, $0x0;
	vm2 =	vgt.s32 v15, $0x0;
	vm1 =	vgt.s32 v19, $0x0;
	[tilespmem:s1+$0x0] =	vst v13;
	v12 =	vmin.u32 v11, $0x40F;
	v11 =	vld.idx.msk [tilespmem:v14+s21+$0x0], $0xffff  }
0x58: {  	s4 =	sadd.s32 $0x50, s22;
	s3 =	simm.s32 $0xA;
	p3 =	por @!p0 p4, p4;
	v15 =	vnsel vm2, $0x0, v15;
	v16 =	vnsel vm1, $0x0, v19;
	v14 =	vnsel vm3, $0x0, v20;
	v13 =	vld.idx.msk [tilespmem:v17+s21+$0x0], $0xffff;
	[tilespmem:s1+$0x10] =	vst v18  }
.LBB2_2:
0x59: {  	s5 =	ssub.s32 s4, s8;
	s3 =	sadd.s32 $0x5, s3;
	v17 =	vnsel vm0, $0x0, v6;
	v15 =	vmin.u32 v15, $0x40F;
	v18 =	vmin.u32 v16, $0x40F;
	v19 =	vld.idx.msk [tilespmem:v7+s21+$0x0], $0xffff;
	[tilespmem:s1+$0xFFFFFFE0] =	vst v9;
	s1 =	sadd.s32 $0x50, s1  }
0x5a: {  	v7 =	vmin.u32 v14, $0x40F;
	v6 =	vadd.s32 s5, v1;
	s6 =	sadd.s32 $0x40, s5;
	p4 =	slt.u32 s3, $0x3C;
	v9 =	vld.idx.msk [tilespmem:v5+s21+$0x0], $0xffff;
	v5 =	vmin.u32 v17, $0x40F;
	s18 =	sadd.s32 $0x10, s5  }
.Ltmp2:
0x5b: {  	s22 =	sadd.s32 $0x20, s5;
	s5 =	sadd.s32 $0x30, s5;
	vm0 =	vgt.s32 v6, $0x0;
	v14 =	vadd.s32 s6, v1;
	[tilespmem:s1+$0x20] =	vst v10;
	(pc) =	sbr.rel @p4 .LBB2_2-.Ltmp2, $4  }
0x5c: {  	v16 =	vadd.s32 s18, v1;
	v17 =	vadd.s32 s22, v1;
	vm1 =	vgt.s32 v14, $0x0;
	v10 =	vld.idx.msk [tilespmem:v12+s21+$0x0], $0xffff  }
0x5d: {  	v20 =	vadd.s32 s5, v1;
	vm2 =	vgt.s32 v16, $0x0;
	v12 =	vnsel vm1, $0x0, v14;
	[tilespmem:s1+$0xFFFFFFF0] =	vst v11  }
0x5e: {  	vm3 =	vgt.s32 v20, $0x0;
	vm1 =	vgt.s32 v17, $0x0;
	v12 =	vmin.u32 v12, $0x40F;
	v11 =	vld.idx.msk [tilespmem:v15+s21+$0x0], $0xffff;
	[tilespmem:s1+$0x0] =	vst v13  }
0x5f: {  	s4 =	sadd.s32 $0x50, s4;
	v14 =	vnsel vm3, $0x0, v20;
	v15 =	vnsel vm2, $0x0, v16;
	v16 =	vnsel vm1, $0x0, v17;
	v13 =	vld.idx.msk [tilespmem:v18+s21+$0x0], $0xffff;
	[tilespmem:s1+$0x10] =	vst v19  }
0x60: {  	v4 =	vxor.u32 $0x80000000, v4  }
0x61: {  	(xrf0) =	vmin.scan.msk.u32 $0xffff, v4;
	v4 =	vxor.u32 $0x80000000, v8  }
0x62: {  	(xrf0) =	vmax.scan.msk.u32 $0xffff, v4;
	_ =	sdelay $0x4  }
0x63: {  	v4, _, _ =	vpop (xrf0)  }
0x64: {  	(v2sf) =	vpush v4, $0xF;
	v4, _, _ =	vpop (xrf0)  }
0x65: {  	(v2sf) =	vpush v4, $0xF;
	_ =	sdelay $0xc  }
0x66: {  	v61 =	vmin.u32 v16, $0x40F  }
0x67: {  	v6 =	vnsel vm0, $0x0, v6;
	v14 =	vmin.u32 v14, $0x40F;
	s22 =	sadd.s32 $0x50, s1;
	s3 =	spop (v2sf)  }
0x68: {  	v5 =	vld.idx.msk [tilespmem:v5+s21+$0x0], $0xffff;
	v6 =	vmin.u32 v6, $0x40F;
	s6 =	sadd.s32 $0x50, s22;
	s4 =	sxor.u32 $0x80000000, s3;
	s18 =	spop (v2sf)  }
0x69: {  	v7 =	vld.idx.msk [tilespmem:v7+s21+$0x0], $0xffff;
	[tilespmem:s1+$0xFFFFFFE0] =	vst v9;
	v4 =	vmin.u32 v15, $0x40F;
	p5 =	sgt.s32 s3, $0xFFFFFFFF;
	s3 =	sand.u32 $0x3FF, s3;
	s5 =	sshra.s32 s4, $0x1F  }
0x6a: {  	v62 =	vld.idx.msk [tilespmem:v12+s21+$0x0], $0xffff;
	[tilespmem:s22+$0x20] =	vst v10;
	p4 =	slt.s32 s4, $0x1;
	p2 =	sne.s32 s3, $0x0;
	s25 =	sxor.u32 $0x80000000, s18  }
0x6b: {  	[tilespmem:s22+$0xFFFFFFF0] =	vst v11;
	v8 =	vld.idx.msk [tilespmem:v61+s21+$0x0], $0xffff;
	s28 =	sand.u32 $0x3FF, s18;
	s5 =	sshrl.u32 s5, $0x16;
	p4 =	por p5, p4  }
0x6c: {  	[tilespmem:s22+$0x0] =	vst v13;
	v63 =	vld.idx.msk [tilespmem:v14+s21+$0x0], $0xffff;
	p5 =	slt.s32 s25, $0x1;
	s26 =	sshra.s32 s25, $0x1F;
	s23 =	sadd.s32 s5, s4  }
0x6d: {  	[tilespmem:s22+$0xFFFFFFE0] =	vst v5;
	v5 =	vld.idx.msk [tilespmem:v6+s21+$0x0], $0xffff;
	p4 =	por !p2, !p4;
	p2 =	sgt.s32 s18, $0xFFFFFFFF;
	s5 =	simm.s32 $0x1  }
0x6e: {  	[tilespmem:s22+$0x10] =	vst v7;
	v4 =	vld.idx.msk [tilespmem:v4+s21+$0x0], $0xffff;
	s4 =	sshrl.u32 s26, $0x16;
	p2 =	por p2, p5;
	p5 =	sne.s32 s28, $0x0  }
0x6f: {  	[tilespmem:s6+$0x20] =	vst v62;
	s1 =	sshra.s32 s23, $0xA;
	p4 =	por !p4, !p4;
	p2 =	por !p5, !p2  }
0x70: {  	[tilespmem:s6+$0x0] =	vst v8;
	s3 =	sadd.s32 s4, s25;
	s4 =	simm.s32 $0x1;
	p5 =	por !p2, !p2  }
0x71: {  	[tilespmem:s6+$0x10] =	vst v63;
	s5 =	simm.s32 @!p4 $0x0;
	s3 =	sshra.s32 s3, $0xA;
	s4 =	simm.s32 @!p5 $0x0  }
0x72: {  	[tilespmem:s6+$0xFFFFFFE0] =	vst v5;
	s1 =	ssub.s32 s1, s5;
	s4 =	ssub.s32 s3, s4  }
0x73: {  	[tilespmem:s6+$0xFFFFFFF0] =	vst v4;
	p2 =	sge.s32 s1, s9;
	p4 =	slt.s32 s4, s16  }
0x74: {  	_ =	swait.ge [sflag:s11], $0x400;
	p2 =	por !p2, !p4  }
0x75: {  	[sflag:s11] =	ssyncset.done $0x0;
	p4 =	por !p2, !p2  }
0x76: {  	[sflag:s11] =	ssyncadd.s32 $0xFFFFFC00;
	p2 =	slt.s32 @!p4 s4, s1  }
0x77: {  	_ =	swait.ge [sflag:s11], $0x400;
	p2 =	por p4, p2  }
.Ltmp3:
0x78: {  	[sflag:s11] =	ssyncset.done $0x0;
	(pc) =	sbr.rel @p2 .LBB2_9-.Ltmp3, $4  }
0x79: {  	[sflag:s11] =	ssyncadd.s32 $0xFFFFFC00  }
0x7a: {  	_ =	swait.ge [sflag:s11], $0x400  }
0x7b: {  	[sflag:s11] =	ssyncset.done $0x0  }
0x7c: {  	[sflag:s11] =	ssyncadd.s32 $0xFFFFFC00  }
0x7d: {  	s4 =	simm.s32 $0xFFFFFFFF  }
0x7e: {  	s4 =	simm.s32 @!p5 $0x0  }
0x7f: {  	s3 =	sadd.s32 s4, s3  }
0x80: {  	s3 =	ssub.s32 s3, s1  }
0x81: {  	s3 =	sadd.s32 $0x1, s3  }
0x82: {  	p2 =	seq.s32 s3, $0x1  }
.Ltmp4:
0x83: {  	s6 =	sshll.u32 s1, $0x7;
	(pc) =	sbr.rel @p2 .LBB2_6-.Ltmp4, $4  }
0x84: {  	s5 =	sand.u32 $0x1FFFFF80, s6  }
0x85: {  	s4 =	simm.s32 $0x0;
	s5 =	sadd.s32 s2, s5  }
0x86: {  	[tilespmem:s4], [sflag:$0x1] =	stream.linear.gather [hbm4b:s5+s7], $0x400, $0x38;
	[tilespmem:$0x4E80] =	vst v63  }
0x87: {  	s6 =	sadd.s32 $0x80, s6;
	s5 =	sadd.s32 $0xFFFFFFFF, s3  }
.LBB2_5:
0x88: {  	s18 =	sand.u32 $0x1FFFFF80, s6;
	p2 =	seq.s32 s5, $0x1;
	s5 =	sadd.s32 $0xFFFFFFFF, s5  }
.Ltmp5:
0x89: {  	s4 =	sadd.s32 $0x400, s4;
	s18 =	sadd.s32 s2, s18;
	(pc) =	sbr.rel @!p2 .LBB2_5-.Ltmp5, $3  }
0x8a: {  	[tilespmem:s4], [sflag:$0x1] =	stream.linear.gather [hbm4b:s18+s7], $0x400, $0x38;
	[tilespmem:$0x4E80] =	vst v63  }
0x8b: {  	_ =	sdelay $0x1  }
0x8c: {  	s6 =	sadd.s32 $0x80, s6  }
.LBB2_6:
0x8d: {  	p2 =	sne.s32 s3, $0x1  }
.Ltmp6:
0x8e: {  	_ = 	snop;
	(pc) =	sbr.rel @!p2 .LBB2_8-.Ltmp6, $3  }
0x8f: {  	_ =	sdelay $0x1  }
0x90: {  	_ =	swait.ge [sflag:s11], $0x400  }
0x91: {  	s3 =	sadd.s32 $0xFFFFFFFF, s3;
	[sflag:s11] =	ssyncset.done $0x0  }
.LBB2_7:
0x92: {  	p2 =	sne.s32 s3, $0x1;
	s3 =	sadd.s32 $0xFFFFFFFF, s3;
	[sflag:s11] =	ssyncadd.s32 $0xFFFFFC00  }
.Ltmp7:
0x93: {  	(pc) =	sbr.rel @p2 .LBB2_7-.Ltmp7, $3  }
0x94: {  	_ =	sdelay $0x1  }
0x95: {  	_ =	swait.ge [sflag:s11], $0x400  }
0x96: {  	[sflag:s11] =	ssyncset.done $0x0  }
.LBB2_8:
0x97: {  	[sflag:s11] =	ssyncadd.s32 $0xFFFFFC00  }
.LBB2_9:
0x98: {  	s3 =	simm.s32 $0x44C0  }
0x99: {  	v5 =	vld [tilespmem:s3+$0xFFFFFFC0]  }
0x9a: {  	v6 =	vld [tilespmem:s3+$0xFFFFFFD0]  }
0x9b: {  	v8 =	vld [tilespmem:s3+$0xFFFFFFF0]  }
0x9c: {  	v9 =	vld [tilespmem:s3+$0x0]  }
0x9d: {  	s1 =	smov.u32 @p4 s9;
	v11 =	vld [tilespmem:s3+$0x10]  }
0x9e: {  	s1 =	sshll.u32 s1, $0xA;
	v13 =	vld [tilespmem:s3+$0x20]  }
0x9f: {  	v14 =	vld [tilespmem:s3+$0x30];
	v4 =	vmov s1  }
0xa0: {  	v10 =	vsub.s32 v5, v4;
	v5 =	vand.u32 $0x7F, v5  }
0xa1: {  	v12 =	vsub.s32 v6, v4;
	v6 =	vand.u32 $0x7F, v6;
	v15 =	vsub.s32 v8, v4  }
0xa2: {  	v7 =	vld [tilespmem:s3+$0xFFFFFFE0];
	v16 =	vsub.s32 v9, v4;
	v8 =	vand.u32 $0x7F, v8;
	v17 =	vsub.s32 v11, v4  }
0xa3: {  	v9 =	vand.u32 $0x7F, v9;
	v18 =	vsub.s32 v13, v4;
	v11 =	vand.u32 $0x7F, v11  }
0xa4: {  	s28 =	simm.s32 $0x4540;
	v19 =	vsub.s32 v14, v4;
	v13 =	vand.u32 $0x7F, v13;
	v14 =	vand.u32 $0x7F, v14  }
0xa5: {  	v20 =	vld [tilespmem:s28+$0xFFFFFFC0];
	v10 =	vand.u32 $0xFFFFFF80, v10;
	v15 =	vand.u32 $0xFFFFFF80, v15;
	v16 =	vand.u32 $0xFFFFFF80, v16  }
0xa6: {  	v21 =	vld [tilespmem:s28+$0xFFFFFFD0];
	v17 =	vand.u32 $0xFFFFFF80, v17;
	v18 =	vand.u32 $0xFFFFFF80, v18;
	v19 =	vand.u32 $0xFFFFFF80, v19  }
0xa7: {  	v24 =	vld [tilespmem:s28+$0x30];
	v5 =	vor.u32 v5, v10;
	v10 =	vand.u32 $0xFFFFFF80, v12;
	v12 =	vsub.s32 v7, v4  }
0xa8: {  	v7 =	vand.u32 $0x7F, v7;
	v8 =	vor.u32 v8, v15;
	v6 =	vor.u32 v6, v10;
	v10 =	vld [tilespmem:s28+$0xFFFFFFE0]  }
0xa9: {  	v9 =	vor.u32 v9, v16;
	v15 =	vor.u32 v11, v17;
	v17 =	vld [tilespmem:s28+$0x0];
	v12 =	vand.u32 $0xFFFFFF80, v12  }
0xaa: {  	v11 =	vmov s20;
	v16 =	vor.u32 v13, v18;
	v7 =	vor.u32 v7, v12;
	v12 =	vld [tilespmem:s28+$0xFFFFFFF0]  }
0xab: {  	v18 =	vor.u32 v14, v19;
	v19 =	vld [tilespmem:s28+$0x10];
	vm0 =	veq.s32 v11, v0;
	v11 =	vsub.s32 v20, v4  }
0xac: {  	v13 =	vand.u32 $0x7F, v20;
	v20 =	vld [tilespmem:s28+$0x20];
	v11 =	vand.u32 $0xFFFFFF80, v11  }
0xad: {  	v14 =	vsub.s32 v21, v4;
	v22 =	vor.u32 v13, v11;
	v5 =	vld.idx.msk [tilespmem:v5+s7+$0x0], $0xffff;
	v11 =	vsub.s32 v10, v4  }
0xae: {  	v21 =	vand.u32 $0x7F, v21;
	v23 =	vand.u32 $0xFFFFFF80, v14;
	v25 =	vand.u32 $0xFFFFFF80, v11;
	v11 =	vld.idx.msk [tilespmem:v6+s7+$0x0], $0xffff  }
0xaf: {  	v28 =	vand.u32 $0x7F, v17;
	v13 =	vsub.s32 v12, v4;
	v6 =	vand.u32 $0x7F, v10;
	v14 =	vld.idx.msk [tilespmem:v7+s7+$0x0], $0xffff  }
0xb0: {  	v10 =	vsub.s32 v17, v4;
	v7 =	vand.u32 $0x7F, v12;
	v12 =	vld.idx.msk [tilespmem:v9+s7+$0x0], $0xffff;
	v26 =	vand.u32 $0xFFFFFF80, v13  }
0xb1: {  	v27 =	vand.u32 $0xFFFFFF80, v10;
	v10 =	vsub.s32 v19, v4;
	v13 =	vld.idx.msk [tilespmem:v8+s7+$0x0], $0xffff;
	v8 =	vsub.s32 v20, v4  }
0xb2: {  	v17 =	vld.idx.msk [tilespmem:v22+s7+$0x0], $0xffff;
	v22 =	vand.u32 $0x7F, v19;
	v9 =	vor.u32 v6, v25;
	v29 =	vand.u32 $0xFFFFFF80, v10  }
0xb3: {  	v30 =	vand.u32 $0xFFFFFF80, v8;
	v8 =	vsub.s32 v24, v4;
	v5 =	vadd.s32 $0x1, v5  }
0xb4: {  	s1 =	simm.s32 $0x4940;
	v15 =	vld.idx.msk [tilespmem:v15+s7+$0x0], $0xffff;
	v10 =	vor.u32 v21, v23;
	v19 =	vand.u32 $0xFFFFFF80, v8;
	v5 =	vsel vm0, $0x0, v5  }
0xb5: {  	s4 =	simm.s32 $0x8;
	v16 =	vld.idx.msk [tilespmem:v16+s7+$0x0], $0xffff;
	v8 =	vor.u32 v7, v26;
	v7 =	vor.u32 v28, v27;
	[tilespmem:s1+$0xFFFFFFC0] =	vst v5;
	v5 =	vand.u32 $0x7F, v20  }
0xb6: {  	s6 =	simm.s32 $0x45C0;
	s5 =	smov.u32 s20;
	s3 =	simm.s32 $0x4940;
	v18 =	vld.idx.msk [tilespmem:v18+s7+$0x0], $0xffff;
	v6 =	vor.u32 v22, v29;
	v20 =	vand.u32 $0x7F, v24;
	v5 =	vor.u32 v5, v30  }
.LBB2_10:
0xb7: {  	v21 =	vld [tilespmem:s6+$0xFFFFFFC0];
	s4 =	sadd.s32 $0x8, s4;
	v22 =	vor.u32 v20, v19;
	v11 =	vadd.s32 $0x1, v11;
	v14 =	vadd.s32 $0x1, v14;
	s5 =	sadd.s32 $0x80, s5  }
0xb8: {  	v12 =	vadd.s32 $0x1, v12;
	v19 =	vld [tilespmem:s6+$0xFFFFFFD0];
	p4 =	slt.u32 s4, $0x18;
	v20 =	vmov s5;
	[tilespmem:s1+$0xFFFFFFD0] =	vst v11;
	v11 =	vadd.s32 $0x1, v13  }
0xb9: {  	v17 =	vadd.s32 $0x1, v17;
	v13 =	vld [tilespmem:s6+$0xFFFFFFE0];
	vm0 =	veq.s32 v20, v0;
	[tilespmem:s1+$0xFFFFFFE0] =	vst v14  }
0xba: {  	s1 =	sadd.s32 $0x80, s1;
	v20 =	vld [tilespmem:s6+$0xFFFFFFF0];
	v14 =	vsel vm0, $0x0, v17;
	[tilespmem:s3+$0xFFFFFFF0] =	vst v11;
	v11 =	vadd.s32 $0x1, v15  }
0xbb: {  	v15 =	vld [tilespmem:s6+$0x0];
	[tilespmem:s1+$0xFFFFFFC0] =	vst v14;
	v14 =	vadd.s32 $0x1, v16  }
0xbc: {  	v16 =	vsub.s32 v21, v4;
	v23 =	vld [tilespmem:s6+$0x10];
	[tilespmem:s3+$0x0] =	vst v12;
	v12 =	vadd.s32 $0x1, v18  }
0xbd: {  	v17 =	vand.u32 $0x7F, v21;
	v16 =	vand.u32 $0xFFFFFF80, v16;
	v18 =	vsub.s32 v19, v4;
	v21 =	vld [tilespmem:s6+$0x20];
	[tilespmem:s3+$0x10] =	vst v11  }
0xbe: {  	v16 =	vor.u32 v17, v16;
	v18 =	vand.u32 $0xFFFFFF80, v18;
	v11 =	vsub.s32 v13, v4;
	v24 =	vld [tilespmem:s6+$0x30];
	[tilespmem:s3+$0x20] =	vst v14  }
0xbf: {  	v25 =	vand.u32 $0x7F, v19;
	v26 =	vand.u32 $0xFFFFFF80, v11;
	v14 =	vsub.s32 v20, v4;
	v11 =	vld.idx.msk [tilespmem:v10+s7+$0x0], $0xffff;
	[tilespmem:s3+$0x30] =	vst v12;
	s3 =	smov.u32 s1  }
0xc0: {  	v27 =	vand.u32 $0x7F, v13;
	v28 =	vand.u32 $0xFFFFFF80, v14;
	v10 =	vsub.s32 v15, v4;
	v14 =	vld.idx.msk [tilespmem:v9+s7+$0x0], $0xffff  }
0xc1: {  	v29 =	vand.u32 $0x7F, v20;
	v30 =	vand.u32 $0xFFFFFF80, v10;
	v9 =	vsub.s32 v23, v4;
	v13 =	vld.idx.msk [tilespmem:v8+s7+$0x0], $0xffff  }
.Ltmp8:
0xc2: {  	v31 =	vand.u32 $0x7F, v15;
	v32 =	vand.u32 $0xFFFFFF80, v9;
	v8 =	vsub.s32 v21, v4;
	v12 =	vld.idx.msk [tilespmem:v7+s7+$0x0], $0xffff;
	(pc) =	sbr.rel @p4 .LBB2_10-.Ltmp8, $4  }
0xc3: {  	v23 =	vand.u32 $0x7F, v23;
	v17 =	vld.idx.msk [tilespmem:v16+s7+$0x0], $0xffff;
	v33 =	vand.u32 $0xFFFFFF80, v8;
	v7 =	vsub.s32 v24, v4  }
0xc4: {  	v21 =	vand.u32 $0x7F, v21;
	v20 =	vand.u32 $0x7F, v24;
	v19 =	vand.u32 $0xFFFFFF80, v7;
	v15 =	vld.idx.msk [tilespmem:v6+s7+$0x0], $0xffff  }
0xc5: {  	v10 =	vor.u32 v25, v18;
	v9 =	vor.u32 v27, v26;
	v8 =	vor.u32 v29, v28;
	v16 =	vld.idx.msk [tilespmem:v5+s7+$0x0], $0xffff  }
0xc6: {  	s6 =	sadd.s32 $0x80, s6;
	v7 =	vor.u32 v31, v30;
	v6 =	vor.u32 v23, v32;
	v5 =	vor.u32 v21, v33;
	v18 =	vld.idx.msk [tilespmem:v22+s7+$0x0], $0xffff  }
0xc7: {  	_ = 	snop  }
0xc8: {  	v11 =	vadd.s32 $0x1, v11  }
0xc9: {  	s4 =	sadd.s32 $0x80, s5;
	v14 =	vadd.s32 $0x1, v14;
	[tilespmem:s1+$0xFFFFFFD0] =	vst v11  }
0xca: {  	v12 =	vadd.s32 $0x1, v12;
	v21 =	vmov s4;
	[tilespmem:s1+$0xFFFFFFE0] =	vst v14  }
0xcb: {  	v10 =	vld.idx.msk [tilespmem:v10+s7+$0x0], $0xffff;
	v11 =	vadd.s32 $0x1, v13;
	v13 =	vadd.s32 $0x1, v17;
	[tilespmem:s3+$0x0] =	vst v12;
	vm0 =	veq.s32 v21, v0  }
0xcc: {  	s6 =	sadd.s32 $0x80, s1;
	v9 =	vld.idx.msk [tilespmem:v9+s7+$0x0], $0xffff;
	[tilespmem:s3+$0xFFFFFFF0] =	vst v11;
	v11 =	vor.u32 v20, v19;
	v13 =	vsel vm0, $0x0, v13  }
0xcd: {  	v8 =	vld.idx.msk [tilespmem:v8+s7+$0x0], $0xffff;
	v12 =	vadd.s32 $0x1, v16;
	[tilespmem:s6+$0xFFFFFFC0] =	vst v13  }
0xce: {  	v7 =	vld.idx.msk [tilespmem:v7+s7+$0x0], $0xffff;
	v13 =	vadd.s32 $0x1, v15;
	[tilespmem:s3+$0x20] =	vst v12  }
0xcf: {  	v6 =	vld.idx.msk [tilespmem:v6+s7+$0x0], $0xffff;
	[tilespmem:s3+$0x10] =	vst v13;
	v13 =	vadd.s32 $0x1, v18  }
0xd0: {  	v5 =	vld.idx.msk [tilespmem:v5+s7+$0x0], $0xffff;
	v10 =	vadd.s32 $0x1, v10;
	[tilespmem:s3+$0x30] =	vst v13  }
0xd1: {  	v9 =	vadd.s32 $0x1, v9;
	[tilespmem:s6+$0xFFFFFFD0] =	vst v10;
	v11 =	vld.idx.msk [tilespmem:v11+s7+$0x0], $0xffff  }
0xd2: {  	v8 =	vadd.s32 $0x1, v8;
	[tilespmem:s6+$0xFFFFFFE0] =	vst v9  }
0xd3: {  	v7 =	vadd.s32 $0x1, v7;
	[tilespmem:s6+$0xFFFFFFF0] =	vst v8  }
0xd4: {  	v6 =	vadd.s32 $0x1, v6;
	[tilespmem:s6+$0x0] =	vst v7  }
0xd5: {  	v5 =	vadd.s32 $0x1, v5;
	[tilespmem:s6+$0x10] =	vst v6  }
0xd6: {  	[tilespmem:s6+$0x20] =	vst v5;
	v6 =	vadd.s32 $0x1, v11  }
0xd7: {  	s18 =	simm.s32 $0x0;
	s22 =	simm.s32 $0x4900;
	s3 =	simm.s32 $0x200;
	[tilespmem:s6+$0x30] =	vst v6  }
0xd8: {  	[hbm4b:s15+s18] =	stream.linear.scatter [tilespmem:s22], [sflag:$0x2], $0x200, $0x38;
	[tilespmem:$0x4E80] =	vst v63  }
0xd9: {  	v5 =	vld [tilespmem:s3+$0x4520]  }
0xda: {  	s23 =	simm.s32 $0xA00;
	s1 =	sadd.s32 $0x0, s20;
	v6 =	vld [tilespmem:s3+$0x4510]  }
0xdb: {  	s4 =	sand.u32 $0xFFFFFE00, s23;
	s25 =	sadd.s32 $0x2A0, s1;
	v7 =	vld [tilespmem:s3+$0x44A0]  }
0xdc: {  	s26 =	sadd.s32 $0x250, s1;
	s4 =	sadd.s32 $0x0, s4;
	s23 =	sadd.s32 $0x230, s1;
	v8 =	vld [tilespmem:s3+$0x44D0]  }
0xdd: {  	s28 =	sshra.s32 s4, $0x2;
	v10 =	vmov s26;
	s26 =	sadd.s32 $0x270, s1;
	s6 =	sadd.s32 $0x290, s1;
	v9 =	vld [tilespmem:s3+$0x44C0]  }
0xde: {  	v11 =	vmov s25;
	s25 =	sadd.s32 $0x240, s1;
	s18 =	sadd.s32 $0x220, s1;
	v12 =	vmov s6;
	s6 =	sadd.s32 $0x280, s1  }
0xdf: {  	vm0 =	vgt.u32 v10, v2;
	vm1 =	vgt.u32 v11, v2;
	s22 =	sadd.s32 $0x200, s1;
	v15 =	vmov s18;
	v19 =	vld [tilespmem:s28+$0x4480];
	s18 =	sadd.s32 $0x210, s1;
	s1 =	sadd.s32 $0x260, s1  }
0xe0: {  	v62 =	vmov s1;
	vm3 =	vgt.u32 v15, v2;
	v13 =	vand.u32 $0x7F, v5  }
0xe1: {  	v16 =	vld [tilespmem:s3+$0x44B0];
	v14 =	vsub.s32 v7, v4;
	v7 =	vand.u32 $0x7F, v7;
	v17 =	vsub.s32 v6, v4  }
0xe2: {  	v56 =	vsub.s32 v8, v4;
	v57 =	vsub.s32 v5, v4;
	v22 =	vand.u32 $0x7F, v9  }
0xe3: {  	v18 =	vld [tilespmem:s3+$0x44E0];
	v6 =	vand.u32 $0x7F, v6;
	v9 =	vsub.s32 v9, v4;
	v8 =	vand.u32 $0x7F, v8  }
0xe4: {  	v58 =	vsub.s32 v19, v4;
	v10 =	vand.u32 $0xFFFFFF80, v17;
	v17 =	vand.u32 $0xFFFFFF80, v57  }
0xe5: {  	v19 =	vand.u32 $0x7F, v19;
	v6 =	vor.u32 v6, v10;
	v10 =	vld [tilespmem:s3+$0x4490];
	v13 =	vor.u32 v13, v17  }
0xe6: {  	v23 =	vld [tilespmem:s3+$0x4480];
	v14 =	vand.u32 $0xFFFFFF80, v14;
	v20 =	vand.u32 $0xFFFFFF80, v56;
	v17 =	vsub.s32 v16, v4  }
0xe7: {  	v7 =	vor.u32 v7, v14;
	v16 =	vand.u32 $0x7F, v16;
	v17 =	vand.u32 $0xFFFFFF80, v17  }
0xe8: {  	v59 =	vld [tilespmem:s3+$0x44F0];
	v9 =	vand.u32 $0xFFFFFF80, v9;
	v14 =	vand.u32 $0x7F, v18;
	v16 =	vor.u32 v16, v17  }
0xe9: {  	v8 =	vor.u32 v8, v20;
	v18 =	vsub.s32 v18, v4;
	v17 =	vand.u32 $0xFFFFFF80, v58  }
0xea: {  	v22 =	vor.u32 v22, v9;
	v17 =	vor.u32 v19, v17;
	v60 =	vsub.s32 v10, v4;
	v13 =	vld.idx.msk [tilespmem:v13+s7+$0x0], $0xffff  }
0xeb: {  	v10 =	vand.u32 $0x7F, v10;
	v61 =	vld.idx.msk [tilespmem:v6+s7+$0x0], $0xffff;
	v6 =	vsub.s32 v23, v4;
	v19 =	vand.u32 $0xFFFFFF80, v60  }
0xec: {  	v24 =	vld.idx.msk [tilespmem:v7+s7+$0x0], $0xffff;
	v7 =	vand.u32 $0x7F, v23;
	v6 =	vand.u32 $0xFFFFFF80, v6;
	v19 =	vor.u32 v10, v19  }
0xed: {  	v9 =	vsub.s32 v59, v4;
	v18 =	vand.u32 $0xFFFFFF80, v18;
	v23 =	vor.u32 v7, v6;
	v7 =	vld.idx.msk [tilespmem:v16+s7+$0x0], $0xffff  }
0xee: {  	v9 =	vand.u32 $0xFFFFFF80, v9;
	v18 =	vor.u32 v14, v18;
	v16 =	vand.u32 $0x7F, v59;
	v10 =	vld.idx.msk [tilespmem:v8+s7+$0x0], $0xffff  }
0xef: {  	vm2 =	vgt.u32 v62, v2;
	v20 =	vor.u32 v16, v9;
	v8 =	vadd.s32 $0x1, v13;
	v13 =	vld.idx.msk [tilespmem:v17+s7+$0x0], $0xffff  }
0xf0: {  	v5 =	vmov s6;
	v6 =	vmov s18;
	v16 =	vsel vm1, $0x0, v8;
	v8 =	vld.idx.msk [tilespmem:v22+s7+$0x0], $0xffff  }
0xf1: {  	v9 =	vmov s22;
	v14 =	vadd.s32 $0x1, v61;
	vm1 =	vgt.u32 v12, v2;
	v11 =	vld.idx.msk [tilespmem:v19+s7+$0x0], $0xffff  }
0xf2: {  	v17 =	vmov s23;
	v12 =	vmov s26;
	v63 =	vsel vm1, $0x0, v14;
	v14 =	vld.idx.msk [tilespmem:v23+s7+$0x0], $0xffff  }
0xf3: {  	s5 =	simm.s32 $0x330;
	s4 =	simm.s32 $0xAC0;
	v19 =	vmov s25;
	vm1 =	vgt.u32 v12, v2;
	[tilespmem:s3+$0x49A0] =	vst v16;
	v16 =	vadd.s32 $0x1, v24;
	v12 =	vld.idx.msk [tilespmem:v18+s7+$0x0], $0xffff  }
0xf4: {  	s1 =	simm.s32 $0xB0;
	s6 =	simm.s32 $0x20;
	s18 =	simm.s32 $0xC0;
	vm4 =	vgt.u32 v17, v2;
	[tilespmem:s3+$0x4990] =	vst v63;
	v16 =	vsel vm3, $0x0, v16;
	vm3 =	vgt.u32 v19, v2;
	v15 =	vld.idx.msk [tilespmem:v20+s7+$0x0], $0xffff  }
.LBB2_12:
0xf5: {  	s25 =	sshll.u32 s5, $0x2;
	s22 =	sadd.s32 s1, s20;
	s23 =	sshra.s32 s4, $0x2;
	vm5 =	vgt.u32 v9, v2;
	vm6 =	vgt.u32 v6, v2;
	v6 =	vadd.s32 $0x1, v10  }
0xf6: {  	s6 =	sadd.s32 $0xB, s6;
	v10 =	vadd.s32 $0x1, v13;
	s25 =	sand.u32 $0xFFFFFE00, s25;
	s26 =	sadd.s32 $0x2A0, s22;
	v9 =	vld [tilespmem:s23+$0x4520];
	[tilespmem:s3+$0x4920] =	vst v16;
	v6 =	vsel vm0, $0x0, v6;
	vm0 =	vgt.u32 v5, v2  }
0xf7: {  	p4 =	slt.u32 s6, $0x36;
	v5 =	vadd.s32 $0x1, v11;
	s25 =	sadd.s32 s25, s18;
	v13 =	vld [tilespmem:s23+$0x4510];
	v16 =	vmov s26;
	[tilespmem:s3+$0x4950] =	vst v6;
	v6 =	vsel vm0, $0x0, v10  }
0xf8: {  	v7 =	vadd.s32 $0x1, v7;
	v11 =	vadd.s32 $0x1, v14;
	v5 =	vsel vm6, $0x0, v5;
	v10 =	vld [tilespmem:s23+$0x44A0];
	[tilespmem:s28+$0x4900] =	vst v6;
	s28 =	sshra.s32 s25, $0x2  }
0xf9: {  	s25 =	sadd.s32 $0x290, s22;
	v6 =	vsel vm5, $0x0, v11;
	v14 =	vld [tilespmem:s23+$0x44D0];
	[tilespmem:s3+$0x4910] =	vst v5;
	v5 =	vsel vm4, $0x0, v7;
	v7 =	vadd.s32 $0x1, v8  }
0xfa: {  	v17 =	vmov s25;
	v11 =	vadd.s32 $0x1, v15;
	v8 =	vld [tilespmem:s23+$0x44C0];
	[tilespmem:s3+$0x4930] =	vst v5;
	v5 =	vadd.s32 $0x1, v12  }
0xfb: {  	s26 =	sadd.s32 $0x250, s22;
	s25 =	sadd.s32 $0x220, s22;
	v12 =	vld [tilespmem:s23+$0x4490];
	[tilespmem:s3+$0x4900] =	vst v6;
	v6 =	vsel vm3, $0x0, v7;
	v5 =	vsel vm2, $0x0, v5;
	v7 =	vsel vm1, $0x0, v11  }
0xfc: {  	v15 =	vmov s25;
	v11 =	vmov s26;
	v19 =	vand.u32 $0x7F, v9;
	v18 =	vld [tilespmem:s28+$0x4480];
	[tilespmem:s3+$0x4940] =	vst v6  }
0xfd: {  	v21 =	vsub.s32 v13, v4;
	v6 =	vsub.s32 v10, v4;
	v10 =	vand.u32 $0x7F, v10;
	v20 =	vld [tilespmem:s23+$0x44B0];
	[tilespmem:s3+$0x4960] =	vst v5  }
0xfe: {  	v22 =	vand.u32 $0xFFFFFF80, v6;
	v23 =	vsub.s32 v14, v4;
	v24 =	vld [tilespmem:s23+$0x44E0];
	v6 =	vsub.s32 v9, v4;
	[tilespmem:s3+$0x4970] =	vst v7;
	s3 =	smov.u32 s23  }
0xff: {  	vm0 =	vgt.u32 v11, v2;
	s23 =	sadd.s32 $0x280, s22;
	v9 =	vand.u32 $0xFFFFFF80, v21;
	v7 =	vand.u32 $0x7F, v8  }
0x100: {  	s25 =	sadd.s32 $0x210, s22;
	v11 =	vand.u32 $0x7F, v13;
	v5 =	vmov s23;
	v13 =	vand.u32 $0xFFFFFF80, v6  }
0x101: {  	v6 =	vmov s25;
	v9 =	vor.u32 v11, v9;
	v11 =	vor.u32 v19, v13  }
0x102: {  	v14 =	vand.u32 $0x7F, v14;
	v8 =	vsub.s32 v8, v4;
	v13 =	vsub.s32 v20, v4  }
0x103: {  	v10 =	vor.u32 v10, v22;
	v21 =	vsub.s32 v18, v4;
	v19 =	vand.u32 $0x7F, v24  }
0x104: {  	v23 =	vand.u32 $0xFFFFFF80, v23;
	v18 =	vand.u32 $0x7F, v18;
	v13 =	vand.u32 $0xFFFFFF80, v13;
	v22 =	vld [tilespmem:s3+$0x4480]  }
0x105: {  	v14 =	vor.u32 v14, v23;
	v20 =	vand.u32 $0x7F, v20;
	v23 =	vsub.s32 v24, v4;
	v24 =	vld [tilespmem:s3+$0x44F0]  }
0x106: {  	v21 =	vand.u32 $0xFFFFFF80, v21;
	v13 =	vor.u32 v20, v13;
	v20 =	vand.u32 $0xFFFFFF80, v23;
	v11 =	vld.idx.msk [tilespmem:v11+s7+$0x0], $0xffff  }
0x107: {  	v18 =	vor.u32 v18, v21;
	v23 =	vsub.s32 v12, v4;
	v19 =	vor.u32 v19, v20  }
0x108: {  	v8 =	vand.u32 $0xFFFFFF80, v8;
	v12 =	vand.u32 $0x7F, v12;
	v20 =	vand.u32 $0xFFFFFF80, v23;
	v21 =	vld.idx.msk [tilespmem:v9+s7+$0x0], $0xffff  }
0x109: {  	v8 =	vor.u32 v7, v8;
	v12 =	vor.u32 v12, v20;
	v9 =	vsub.s32 v22, v4;
	v20 =	vld.idx.msk [tilespmem:v10+s7+$0x0], $0xffff  }
0x10a: {  	v7 =	vand.u32 $0xFFFFFF80, v9;
	v9 =	vand.u32 $0x7F, v22;
	v10 =	vsub.s32 v24, v4  }
0x10b: {  	v22 =	vor.u32 v9, v7;
	v7 =	vld.idx.msk [tilespmem:v13+s7+$0x0], $0xffff;
	v9 =	vand.u32 $0xFFFFFF80, v10;
	v13 =	vand.u32 $0x7F, v24  }
0x10c: {  	vm1 =	vgt.u32 v16, v2;
	s23 =	sadd.s32 $0x200, s22;
	s25 =	sadd.s32 $0x230, s22;
	v11 =	vadd.s32 $0x1, v11;
	v10 =	vld.idx.msk [tilespmem:v14+s7+$0x0], $0xffff;
	v23 =	vor.u32 v13, v9  }
0x10d: {  	v24 =	vmov s25;
	v9 =	vmov s23;
	s23 =	sadd.s32 $0x240, s22;
	v14 =	vsel vm1, $0x0, v11;
	v13 =	vld.idx.msk [tilespmem:v18+s7+$0x0], $0xffff  }
.Ltmp9:
0x10e: {  	vm1 =	vgt.u32 v17, v2;
	v18 =	vmov s23;
	s23 =	sadd.s32 $0x260, s22;
	s22 =	sadd.s32 $0x270, s22;
	v11 =	vld.idx.msk [tilespmem:v12+s7+$0x0], $0xffff;
	v12 =	vadd.s32 $0x1, v21;
	[tilespmem:s3+$0x49A0] =	vst v14;
	(pc) =	sbr.rel @p4 .LBB2_12-.Ltmp9, $4  }
0x10f: {  	v16 =	vmov s23;
	v17 =	vmov s22;
	v8 =	vld.idx.msk [tilespmem:v8+s7+$0x0], $0xffff;
	v12 =	vsel vm1, $0x0, v12  }
0x110: {  	vm1 =	vgt.u32 v17, v2;
	v14 =	vld.idx.msk [tilespmem:v22+s7+$0x0], $0xffff;
	[tilespmem:s3+$0x4990] =	vst v12  }
0x111: {  	s18 =	sadd.s32 $0xC0, s18;
	vm3 =	vgt.u32 v15, v2;
	v17 =	vadd.s32 $0x1, v20;
	vm2 =	vgt.u32 v16, v2;
	v12 =	vld.idx.msk [tilespmem:v19+s7+$0x0], $0xffff  }
0x112: {  	s1 =	sadd.s32 $0xB0, s1;
	s4 =	sadd.s32 $0x2C0, s4;
	s5 =	sadd.s32 $0xB0, s5;
	vm4 =	vgt.u32 v24, v2;
	v16 =	vsel vm3, $0x0, v17;
	vm3 =	vgt.u32 v18, v2;
	v15 =	vld.idx.msk [tilespmem:v23+s7+$0x0], $0xffff  }
0x113: {  	v4 =	vadd.s32 $0x1, v10;
	vm14 =	vgt.u32 v5, v2  }
0x114: {  	[tilespmem:s3+$0x4920] =	vst v16;
	vm5 =	vgt.u32 v6, v2;
	v5 =	vadd.s32 $0x1, v11;
	v4 =	vsel vm0, $0x0, v4  }
0x115: {  	v60 =	vadd.s32 $0x1, v13;
	v5 =	vsel vm5, $0x0, v5;
	[tilespmem:s3+$0x4950] =	vst v4  }
0x116: {  	v61 =	vadd.s32 $0x1, v7;
	v4 =	vsel vm14, $0x0, v60;
	[tilespmem:s3+$0x4910] =	vst v5  }
0x117: {  	vm15 =	vgt.u32 v9, v2;
	v5 =	vsel vm4, $0x0, v61;
	[tilespmem:s28+$0x4900] =	vst v4;
	v4 =	vadd.s32 $0x1, v14  }
0x118: {  	[tilespmem:s3+$0x4930] =	vst v5;
	v5 =	vadd.s32 $0x1, v12;
	v4 =	vsel vm15, $0x0, v4  }
0x119: {  	v62 =	vadd.s32 $0x1, v8;
	v5 =	vsel vm2, $0x0, v5;
	[tilespmem:s3+$0x4900] =	vst v4  }
0x11a: {  	v63 =	vadd.s32 $0x1, v15;
	v4 =	vsel vm3, $0x0, v62;
	[tilespmem:s3+$0x4960] =	vst v5  }
0x11b: {  	[tilespmem:s3+$0x4940] =	vst v4;
	v4 =	vsel vm1, $0x0, v63  }
0x11c: {  	[tilespmem:s3+$0x4970] =	vst v4  }
0x11d: {  	s28 =	sld [smem:$0x7FC];
	_ =	sdelay $0x2  }
0x11e: {  	p2 =	seq.s32 s28, $0x1  }
.Ltmp10:
0x11f: {  	_ = 	snop;
	(pc) =	sbr.rel @p2 .LBB2_21-.Ltmp10, $3  }
0x120: {  	_ =	sdelay $0x1  }
0x121: {  	s1 =	simm.s32 $0x4B00  }
0x122: {  	[hbm4b:s17+s7] =	stream.linear.scatter [tilespmem:s1], [sflag:$0x2], $0x200, $0x38;
	[tilespmem:$0x4E80] =	vst v63  }
0x123: {  	s1 =	sld [smem:$0x7FD];
	_ =	sdelay $0x2  }
0x124: {  	p2 =	seq.s32 s1, $0x1  }
.Ltmp11:
0x125: {  	_ = 	snop;
	(pc) =	sbr.rel @p2 .LBB2_18-.Ltmp11, $1  }
0x126: {  	_ =	sdelay $0x3  }
0x127: {  	s3 =	simm.s32 $0x0  }
0x128: {  	v4 =	vadd.s32 s3, v1  }
0x129: {  	vm0 =	vgt.s32 v4, $0x0  }
0x12a: {  	v4 =	vnsel vm0, $0x0, v4  }
0x12b: {  	v4 =	vmin.u32 v4, $0x7F;
	_ =	sdelay $0x1  }
0x12c: {  	_ =	swait.ge [sflag:s30], $0x80  }
0x12d: {  	[sflag:s30] =	ssyncset.done $0x0  }
0x12e: {  	s1 =	simm.s32 $0x10;
	[sflag:s30] =	ssyncadd.s32 $0xFFFFFF80  }
0x12f: {  	v5 =	vadd.s32 s1, v1;
	v4 =	vld.idx.msk [tilespmem:v4+s31+$0x0], $0xffff  }
0x130: {  	vm13 =	vgt.s32 v5, $0x0  }
0x131: {  	v5 =	vnsel vm13, $0x0, v5  }
0x132: {  	v6 =	vmov s3;
	v5 =	vmin.u32 v5, $0x7F  }
0x133: {  	vm14 =	veq.s32 v6, v0  }
0x134: {  	vm15 =	veq.s32 v6, v3;
	v4 =	vsel vm14, $0x65, v4  }
0x135: {  	s4 =	simm.s32 $0x4E00;
	v4 =	vsel vm15, $0x66, v4  }
0x136: {  	s3 =	simm.s32 $0x20;
	[tilespmem:s4+$0x0] =	vst v4  }
0x137: {  	s5 =	simm.s32 $0x30;
	v4 =	vld.idx.msk [tilespmem:v5+s31+$0x0], $0xffff;
	v5 =	vadd.s32 s3, v1  }
.LBB2_16:
0x138: {  	p4 =	sne.s32 s5, $0x70;
	vm0 =	vgt.s32 v5, $0x0  }
0x139: {  	v5 =	vnsel vm0, $0x0, v5  }
0x13a: {  	v6 =	vmov s1;
	s1 =	smov.u32 s3;
	s3 =	smov.u32 s5;
	v5 =	vmin.u32 v5, $0x7F  }
0x13b: {  	vm0 =	veq.s32 v6, v0  }
.Ltmp12:
0x13c: {  	v4 =	vsel vm0, $0x65, v4;
	vm0 =	veq.s32 v6, v3;
	(pc) =	sbr.rel @p4 .LBB2_16-.Ltmp12, $4  }
0x13d: {  	s4 =	sadd.s32 $0x10, s4;
	v4 =	vsel vm0, $0x66, v4  }
0x13e: {  	[tilespmem:s4+$0x0] =	vst v4  }
0x13f: {  	v4 =	vld.idx.msk [tilespmem:v5+s31+$0x0], $0xffff  }
0x140: {  	s5 =	sadd.s32 $0x10, s5;
	v5 =	vadd.s32 s3, v1  }
0x141: {  	vm0 =	vgt.s32 v5, $0x0  }
0x142: {  	v5 =	vnsel vm0, $0x0, v5  }
0x143: {  	v6 =	vmov s1;
	v5 =	vmin.u32 v5, $0x7F  }
0x144: {  	vm12 =	veq.s32 v6, v0  }
0x145: {  	vm13 =	veq.s32 v6, v3;
	v4 =	vsel vm12, $0x65, v4  }
0x146: {  	s25 =	sadd.s32 $0x10, s4;
	v4 =	vsel vm13, $0x66, v4  }
0x147: {  	[tilespmem:s25+$0x0] =	vst v4  }
0x148: {  	v4 =	vld.idx.msk [tilespmem:v5+s31+$0x0], $0xffff;
	_ =	sdelay $0x2  }
0x149: {  	v5 =	vmov s3  }
0x14a: {  	vm14 =	veq.s32 v5, v0  }
0x14b: {  	vm15 =	veq.s32 v5, v3;
	v4 =	vsel vm14, $0x65, v4  }
0x14c: {  	s1 =	sadd.s32 $0x10, s25;
	v4 =	vsel vm15, $0x66, v4  }
0x14d: {  	s26 =	rddreg [dreg:$0x3];
	s28 =	simm.s32 $0x4E00;
	[tilespmem:s1+$0x0] =	vst v4  }
0x14e: {  	[hbm4b:s26+s7] =	stream.linear.scatter [tilespmem:s28], [sflag:$0x4], $0x80, $0x38;
	[tilespmem:$0x4E80] =	vst v63  }
.LBB2_18:
0x14f: {  	_ =	swait.ge [sflag:s29], $0x200  }
0x150: {  	[sflag:s29] =	ssyncset.done $0x0  }
0x151: {  	[sflag:s29] =	ssyncadd.s32 $0xFFFFFE00  }
0x152: {  	_ =	swait.ge [sflag:s29], $0x200  }
0x153: {  	s1 =	sld [smem:$0x7FD];
	_ =	sdelay $0x2  }
.Ltmp13:
0x154: {  	[sflag:s29] =	ssyncset.done $0x0;
	p2 =	seq.s32 s1, $0x1;
	(pc) =	sbr.rel .LBB2_19-.Ltmp13, $4  }
0x155: {  	[sflag:s29] =	ssyncadd.s32 $0xFFFFFE00;
	s1 =	simm.s32 @!p2 $0x4  }
0x156: {  	_ =	swait.ge @!p2 [sflag:s1], $0x80  }
0x157: {  	[sflag:s1] =	ssyncset.done @!p2 $0x0  }
0x158: {  	[sflag:s1] =	ssyncadd.s32 @!p2 $0xFFFFFF80  }
.LBB2_20:
0x159: {  	_ =	sfence.sel $0x180000  }
0x15a: {  	[bflag:$0x0] =	sbarrier.arrive $0xFFFF  }
0x15b: {  	_ =	strace $0x90000047  }
0x15c: {  	s0 =	stileid.u32;
	[bflag:$0x2] =	sbarrier.arrive $0xFFFF  }
0x15d: {  	p0 =	sne.s32 s0, $0x0;
	s0 =	rddreg [dreg:$0x7]  }
0x15e: {  	s0 =	sadd.s32 @!p0 $0x100000, s0  }
0x15f: {  	[sflag:s0] =	ssyncadd.tile.s32 @!p0 $0x1;
	_ =	shalt  }
.Lfunc_end2:
_tile_overlayer_lowered:
.L_overlay_start_2:
0x160: {  	(tag) =	ssettag $0x2  }
0x161: {  	s0 =	rddreg [dreg:$0x0];
	s2 =	stileid.u32  }
0x162: {  	s1 =	rddreg [dreg:$0x1];
	p0 =	sne.s32 s2, $0x0  }
0x163: {  	s3 =	rddreg [dreg:$0x2];
	[bflag:$0x3] =	sbarrier.arrive $0xFFFF;
	s2 =	simm.s32 @!p0 $0x1C05  }
0x164: {  	[timem:s3], [sflag:s2] =	dma.local @!p0 [hbm:s0], s1  }
0x165: {  	s0 =	simm.s32 @!p0 $0x5  }
0x166: {  	_ =	swait.ge @!p0 [sflag:s0], s1  }
0x167: {  	s1 =	ssub.s32 @!p0 $0x0, s1;
	[sflag:s0] =	ssyncset.done @!p0 $0x0  }
0x168: {  	[sflag:s0] =	ssyncadd.s32 @!p0 s1  }
0x169: {  	[bflag:$0x3] =	sbarrier.arrive $0xFFFF  }
0x16a: {  	_ =	shalt  }

</sc_bundles>
